<compile_context>
chip_gen: v7x
topology: tpu7x:2x2x1
jax: 0.10.2.dev20260603
libtpu: 0.0.44.dev20260713+nightly
codegen_flags: <defaults>
</compile_context>

<pallas_src>
import functools

import jax
import jax.numpy as jnp
from jax import lax
from jax.experimental import pallas as pl
from jax.experimental.pallas import tpu as pltpu
from jax.experimental.pallas import tpu_sc as plsc

N = 10000
E = 320000
D_IN = 128
D_H = 16
D_OUT = 128

NW = 32
IB = 128
SUB = 1
NJ = 80
PW = NJ * SUB * IB
EPAD = NW * PW
NPAD = 10112
RPT = NPAD // 16
NBUF = 12
LOOKAHEAD = 6

_mesh = plsc.VectorSubcoreMesh(core_axis_name="c", subcore_axis_name="s")


@functools.partial(
    pl.kernel,
    out_type=jax.ShapeDtypeStruct((2 * NPAD,), jnp.float32),
    mesh=_mesh,
    compiler_params=pltpu.CompilerParams(use_tc_tiling_on_sc=False),
    scratch_types=[
        pltpu.VMEM((NJ, SUB * IB), jnp.int32),
        pltpu.VMEM((SUB * IB,), jnp.float32),
        pltpu.VMEM((RPT,), jnp.float32),
        pltpu.VMEM_SHARED((NPAD,), jnp.float32),
        pltpu.SemaphoreType.DMA((NBUF,)),
    ],
)
def _sc_deg(col_hbm, zero_hbm, out_hbm, colv, ones_v, zb, acc, ssem):
    c = lax.axis_index("c")
    s = lax.axis_index("s")
    w = s * 2 + c
    pltpu.sync_copy(col_hbm.at[w], colv)
    for i in range(SUB * IB // 16):
        ones_v[pl.ds(i * 16, 16)] = jnp.full((16,), 1.0, jnp.float32)
    r0 = s * RPT
    pltpu.sync_copy(zero_hbm.at[pl.ds(r0, RPT)], zb)
    pltpu.sync_copy(zb, acc.at[pl.ds(r0, RPT)])
    plsc.subcore_barrier()

    def body(j, carry):
        p = lax.rem(j, NBUF)
        pltpu.async_copy(ones_v, acc.at[colv.at[j]], ssem.at[p], add=True)

        @pl.when(j >= LOOKAHEAD)
        def _drain_old():
            q = lax.rem(j - LOOKAHEAD, NBUF)
            pltpu.make_async_copy(
                ones_v, acc.at[colv.at[j - LOOKAHEAD]], ssem.at[q]
            ).wait()

        return carry

    lax.fori_loop(0, NJ, body, 0)

    def drain(j, carry):
        q = lax.rem(j, NBUF)
        pltpu.make_async_copy(ones_v, acc.at[colv.at[j]], ssem.at[q]).wait()
        return carry

    lax.fori_loop(NJ - LOOKAHEAD, NJ, drain, 0)
    plsc.subcore_barrier()
    pltpu.sync_copy(acc.at[pl.ds(r0, RPT)], zb)
    pltpu.sync_copy(zb, out_hbm.at[pl.ds(c * NPAD + r0, RPT)])


@functools.partial(
    pl.kernel,
    out_type=jax.ShapeDtypeStruct((2 * NPAD, D_H), jnp.float32),
    mesh=_mesh,
    compiler_params=pltpu.CompilerParams(use_tc_tiling_on_sc=False),
    scratch_types=[
        pltpu.VMEM((NJ, SUB * IB), jnp.int32),
        pltpu.VMEM((NJ, SUB * IB), jnp.int32),
        pltpu.VMEM((NBUF, SUB * IB, D_H), jnp.float32),
        pltpu.VMEM((RPT, D_H), jnp.float32),
        pltpu.VMEM_SHARED((NPAD, D_H), jnp.float32),
        pltpu.SemaphoreType.DMA((NBUF,)),
        pltpu.SemaphoreType.DMA((NBUF,)),
    ],
)
def _sc_agg(g_hbm, row_hbm, col_hbm, zero_hbm, out_hbm,
            rowv, colv, buf, zb, acc, gsem, ssem):
    c = lax.axis_index("c")
    s = lax.axis_index("s")
    w = s * 2 + c
    pltpu.sync_copy(row_hbm.at[w], rowv)
    pltpu.sync_copy(col_hbm.at[w], colv)
    r0 = s * RPT
    pltpu.sync_copy(zero_hbm.at[pl.ds(r0, RPT)], zb)
    pltpu.sync_copy(zb, acc.at[pl.ds(r0, RPT)])
    plsc.subcore_barrier()

    for b in range(LOOKAHEAD):
        pltpu.async_copy(g_hbm.at[rowv.at[b]], buf.at[b], gsem.at[b])

    def body(j, carry):
        p = lax.rem(j, NBUF)
        pltpu.make_async_copy(g_hbm.at[rowv.at[j]], buf.at[p], gsem.at[p]).wait()
        pltpu.async_copy(buf.at[p], acc.at[colv.at[j]], ssem.at[p], add=True)

        @pl.when(j >= LOOKAHEAD)
        def _drain_old_scatter():
            q = lax.rem(j - LOOKAHEAD, NBUF)
            pltpu.make_async_copy(
                buf.at[q], acc.at[colv.at[j - LOOKAHEAD]], ssem.at[q]
            ).wait()

        @pl.when(j + LOOKAHEAD < NJ)
        def _issue_next_gather():
            q = lax.rem(j + LOOKAHEAD, NBUF)
            pltpu.async_copy(
                g_hbm.at[rowv.at[j + LOOKAHEAD]], buf.at[q], gsem.at[q]
            )

        return carry

    lax.fori_loop(0, NJ, body, 0)

    def drain(j, carry):
        q = lax.rem(j, NBUF)
        pltpu.make_async_copy(buf.at[q], acc.at[colv.at[j]], ssem.at[q]).wait()
        return carry

    lax.fori_loop(NJ - LOOKAHEAD, NJ, drain, 0)
    plsc.subcore_barrier()
    pltpu.sync_copy(acc.at[pl.ds(r0, RPT)], zb)
    pltpu.sync_copy(zb, out_hbm.at[pl.ds(c * NPAD + r0, RPT)])


@functools.partial(
    pl.kernel,
    out_type=[
        jax.ShapeDtypeStruct((2 * NPAD, D_H), jnp.float32),
        jax.ShapeDtypeStruct((NPAD, D_H), jnp.float32),
    ],
    mesh=_mesh,
    compiler_params=pltpu.CompilerParams(use_tc_tiling_on_sc=False),
    scratch_types=[
        pltpu.VMEM((NJ, SUB * IB), jnp.int32),
        pltpu.VMEM((NJ, SUB * IB), jnp.int32),
        pltpu.VMEM((NBUF, SUB * IB, D_H), jnp.float32),
        pltpu.VMEM((RPT, D_H), jnp.float32),
        pltpu.VMEM((RPT, D_H), jnp.float32),
        pltpu.VMEM((RPT, D_H), jnp.float32),
        pltpu.VMEM((RPT, D_H), jnp.float32),
        pltpu.VMEM((RPT, D_H), jnp.float32),
        pltpu.VMEM((16,), jnp.float32),
        pltpu.VMEM_SHARED((NPAD, D_H), jnp.float32),
        pltpu.VMEM_SHARED((NPAD, D_H), jnp.float32),
        pltpu.SemaphoreType.DMA((NBUF,)),
        pltpu.SemaphoreType.DMA((NBUF,)),
    ],
)
def _sc_agg2(t1p_hbm, g1_hbm, dinv_hbm, b1_hbm, row_hbm, col_hbm, zero_hbm,
             t2_hbm, r_hbm,
             rowv, colv, buf, zb, t0b, t1b, gb, dvb, b1v, acc, r_sp,
             gsem, ssem):
    c = lax.axis_index("c")
    s = lax.axis_index("s")
    w = s * 2 + c
    pltpu.sync_copy(row_hbm.at[w], rowv)
    pltpu.sync_copy(col_hbm.at[w], colv)
    r0 = s * RPT
    pltpu.sync_copy(zero_hbm.at[pl.ds(r0, RPT)], zb)
    pltpu.sync_copy(zb, acc.at[pl.ds(r0, RPT)])
    pltpu.sync_copy(t1p_hbm.at[pl.ds(r0, RPT)], t0b)
    pltpu.sync_copy(t1p_hbm.at[pl.ds(NPAD + r0, RPT)], t1b)
    pltpu.sync_copy(g1_hbm.at[pl.ds(r0, RPT)], gb)
    pltpu.sync_copy(dinv_hbm.at[pl.ds(r0, RPT)], dvb)
    pltpu.sync_copy(b1_hbm, b1v)

    def erow(i, carry):
        dv = dvb[i]
        pre = (t0b[i] + t1b[i] + gb[i]) * dv + b1v[...]

        rrow = jnp.maximum(pre, 0.0) * dv
        keep = (r0 + i) < N
        gb[i] = jnp.where(keep, rrow, jnp.zeros((D_H,), jnp.float32))
        return carry

    lax.fori_loop(0, RPT, erow, 0)
    pltpu.sync_copy(gb, r_sp.at[pl.ds(r0, RPT)])

    @pl.when(c == 0)
    def _publish_r():
        pltpu.sync_copy(gb, r_hbm.at[pl.ds(r0, RPT)])

    plsc.subcore_barrier()

    for b in range(LOOKAHEAD):
        pltpu.async_copy(r_sp.at[rowv.at[b]], buf.at[b], gsem.at[b])

    def body(j, carry):
        p = lax.rem(j, NBUF)
        pltpu.make_async_copy(r_sp.at[rowv.at[j]], buf.at[p], gsem.at[p]).wait()
        pltpu.async_copy(buf.at[p], acc.at[colv.at[j]], ssem.at[p], add=True)

        @pl.when(j >= LOOKAHEAD)
        def _drain_old_scatter():
            q = lax.rem(j - LOOKAHEAD, NBUF)
            pltpu.make_async_copy(
                buf.at[q], acc.at[colv.at[j - LOOKAHEAD]], ssem.at[q]
            ).wait()

        @pl.when(j + LOOKAHEAD < NJ)
        def _issue_next_gather():
            q = lax.rem(j + LOOKAHEAD, NBUF)
            pltpu.async_copy(
                r_sp.at[rowv.at[j + LOOKAHEAD]], buf.at[q], gsem.at[q]
            )

        return carry

    lax.fori_loop(0, NJ, body, 0)

    def drain(j, carry):
        q = lax.rem(j, NBUF)
        pltpu.make_async_copy(buf.at[q], acc.at[colv.at[j]], ssem.at[q]).wait()
        return carry

    lax.fori_loop(NJ - LOOKAHEAD, NJ, drain, 0)
    plsc.subcore_barrier()
    pltpu.sync_copy(acc.at[pl.ds(r0, RPT)], zb)
    pltpu.sync_copy(zb, t2_hbm.at[pl.ds(c * NPAD + r0, RPT)])


def _tc_layer1(xp, W1, deg_t):
    def body(x_ref, w_ref, dp_ref, g_ref, dinv_ref):
        dp = dp_ref[...]
        deg = dp[:, 0:1] + dp[:, 1:2] + 1.0
        dinv = lax.rsqrt(deg)
        h = jnp.dot(x_ref[...], w_ref[...], preferred_element_type=jnp.float32)
        g_ref[...] = h * dinv
        dinv_ref[...] = jnp.broadcast_to(dinv, (NPAD, D_H))

    return pl.pallas_call(
        body,
        out_shape=[
            jax.ShapeDtypeStruct((NPAD, D_H), jnp.float32),
            jax.ShapeDtypeStruct((NPAD, D_H), jnp.float32),
        ],
    )(xp, W1, deg_t)


def _tc_output(t2p, r, dinv, W2, b2):
    def body(t_ref, r_ref, d_ref, w_ref, b_ref, o_ref):
        t = d_ref[...] * (t_ref[0] + t_ref[1] + r_ref[...])
        o_ref[...] = (
            jnp.dot(t, w_ref[...], preferred_element_type=jnp.float32)
            + b_ref[...]
        )

    return pl.pallas_call(
        body,
        out_shape=jax.ShapeDtypeStruct((NPAD, D_OUT), jnp.float32),
    )(t2p, r, dinv, W2, b2)


def kernel(x, edge_index, W1, b1, W2, b2):
    x = x.astype(jnp.float32)
    ei = edge_index.astype(jnp.int32)
    pad_idx = N + jnp.arange(EPAD, dtype=jnp.int32) % (NPAD - N)
    rowp = pad_idx.at[:E].set(ei[0]).reshape(NW, NJ, SUB * IB)
    colp = pad_idx.at[:E].set(ei[1]).reshape(NW, NJ, SUB * IB)
    xp = jnp.pad(x, ((0, NPAD - N), (0, 0)))
    z1 = jnp.zeros((NPAD,), jnp.float32)
    z16 = jnp.zeros((NPAD, D_H), jnp.float32)

    degp = _sc_deg(colp, z1).reshape(2, NPAD)
    g1, dinv = _tc_layer1(xp, W1, degp.T)
    t1p = _sc_agg(g1, rowp, colp, z16)
    t2p, r = _sc_agg2(t1p, g1, dinv, b1.astype(jnp.float32),
                      rowp, colp, z16)
    outp = _tc_output(t2p.reshape(2, NPAD, D_H), r, dinv, W2,
                      b2.reshape(1, D_OUT))
    return outp[:N]

# --- scband reference (transcript-rebuilt; emitter-appended) ---
"""Pipeline reference for scband-gcn-73581379715086 (READ-ONLY COPY).

The authoritative reference and input builder live on the scoring server;
editing this copy changes nothing except your own understanding.
"""

import jax, jax.numpy as jnp
import numpy as np

N = 10000
E = 320000
D_IN = 128
D_H = 16
D_OUT = 128


def gcn_conv(x, edge_index, W, b, num_nodes):
    # PyG GCNConv: add self-loops, symmetric normalization D^-1/2 (A+I) D^-1/2, then X W + b
    h = x @ W
    row = edge_index[0]
    col = edge_index[1]
    loop = jnp.arange(num_nodes, dtype=row.dtype)
    row = jnp.concatenate([row, loop])
    col = jnp.concatenate([col, loop])
    deg = jax.ops.segment_sum(jnp.ones(row.shape[0], dtype=h.dtype), col, num_segments=num_nodes)
    dinv = jnp.where(deg > 0, jax.lax.rsqrt(deg), 0.0)
    norm = dinv[row] * dinv[col]
    msg = h[row] * norm[:, None]
    out = jax.ops.segment_sum(msg, col, num_segments=num_nodes)
    return out + b


def setup_inputs(seed: int = 0) -> dict:
    key = jax.random.key(seed)
    k1, k2, k3, k4, k5, k6 = jax.random.split(key, 6)
    x = jax.random.normal(k1, (N, D_IN), dtype=jnp.float32)
    edge_index = jax.random.randint(k2, (2, E), 0, N)
    # glorot-style init for GCNConv weights
    s1 = np.sqrt(6.0 / (D_IN + D_H))
    s2 = np.sqrt(6.0 / (D_H + D_OUT))
    W1 = jax.random.uniform(k3, (D_IN, D_H), dtype=jnp.float32, minval=-s1, maxval=s1)
    b1 = jnp.zeros((D_H,), dtype=jnp.float32)
    W2 = jax.random.uniform(k4, (D_H, D_OUT), dtype=jnp.float32, minval=-s2, maxval=s2)
    b2 = jnp.zeros((D_OUT,), dtype=jnp.float32)
    return {"x": x, "edge_index": edge_index, "W1": W1, "b1": b1, "W2": W2, "b2": b2}


def reference(x, edge_index, W1, b1, W2, b2):
    h = gcn_conv(x, edge_index, W1, b1, N)
    h = jax.nn.relu(h)
    # dropout(p=0.5) is identity in eval mode
    out = gcn_conv(h, edge_index, W2, b2, N)
    return out

if __name__ == "__main__":
    import jax
    _d = setup_inputs()
    print(jax.jit(kernel)(*tuple(_d.values())))

</pallas_src>

<mosaic_0001>
#map = affine_map<(d0, d1) -> (0, 0)>
#map1 = affine_map<(d0, d1) -> (0)>
#map2 = affine_map<(d0, d1) -> (0, 0, 0)>
module attributes {stable_mosaic.version = 14 : i64} {
  func.func @_sc_agg2(%arg0: i32, %arg1: i32, %arg2: memref<20224x16xf32, #tpu.memory_space<hbm>>, %arg3: memref<10112x16xf32, #tpu.memory_space<hbm>>, %arg4: memref<10112x16xf32, #tpu.memory_space<hbm>>, %arg5: memref<16xf32, #tpu.memory_space<hbm>>, %arg6: memref<32x80x128xi32, #tpu.memory_space<hbm>>, %arg7: memref<32x80x128xi32, #tpu.memory_space<hbm>>, %arg8: memref<10112x16xf32, #tpu.memory_space<hbm>>, %arg9: memref<20224x16xf32, #tpu.memory_space<hbm>>, %arg10: memref<10112x16xf32, #tpu.memory_space<hbm>>, %arg11: memref<80x128xi32, #tpu.memory_space<vmem>>, %arg12: memref<80x128xi32, #tpu.memory_space<vmem>>, %arg13: memref<12x128x16xf32, #tpu.memory_space<vmem>>, %arg14: memref<632x16xf32, #tpu.memory_space<vmem>>, %arg15: memref<632x16xf32, #tpu.memory_space<vmem>>, %arg16: memref<632x16xf32, #tpu.memory_space<vmem>>, %arg17: memref<632x16xf32, #tpu.memory_space<vmem>>, %arg18: memref<632x16xf32, #tpu.memory_space<vmem>>, %arg19: memref<16xf32, #tpu.memory_space<vmem>>, %arg20: memref<10112x16xf32, #tpu.memory_space<vmem_shared>>, %arg21: memref<10112x16xf32, #tpu.memory_space<vmem_shared>>, %arg22: memref<12x!tpu.dma_semaphore, #tpu.memory_space<semaphore_mem>>, %arg23: memref<12x!tpu.dma_semaphore, #tpu.memory_space<semaphore_mem>>) attributes {dimension_semantics = [#tpu.dimension_semantics<core_parallel>, #tpu.dimension_semantics<subcore_parallel>], iteration_bounds = array<i64: 2, 16>, scalar_prefetch = 0 : i64, scratch_operands = 13 : i64, tpu.core_type = #tpu.core_type<sc_vector_subcore>, window_params = [{transform_indices = #map}, {transform_indices = #map}, {transform_indices = #map}, {transform_indices = #map1}, {transform_indices = #map2}, {transform_indices = #map2}, {transform_indices = #map}, {transform_indices = #map}, {transform_indices = #map}]} {
    %mul3A = arith.constant 2 : i32
    %mul3A_0 = arith.muli %arg1, %mul3A : i32
    %add3A = arith.addi %mul3A_0, %arg0 : i32
    "tpu.region"() ({
      %run_scoped3A = tpu.sem_alloc : memref<!tpu.dma_semaphore, #tpu.memory_space<semaphore_mem>>
      %dma_start3A_117 = arith.constant 0 : i32
      %dma_start3A_118 = arith.constant 0 : i32
      %dma_start3A_119 = tpu.memref_slice %arg6[%add3A, %dma_start3A_117, %dma_start3A_118] : memref<32x80x128xi32, #tpu.memory_space<hbm>> -> memref<1x80x128xi32, #tpu.memory_space<hbm>>
      %dma_start3A_120 = tpu.memref_squeeze %dma_start3A_119 : memref<1x80x128xi32, #tpu.memory_space<hbm>> -> memref<80x128xi32, #tpu.memory_space<hbm>>
      %dma_start3A_121 = arith.constant 0 : i32
      %dma_start3A_122 = arith.constant 0 : i32
      %dma_start3A_123 = tpu.memref_slice %arg6[%add3A, %dma_start3A_121, %dma_start3A_122] : memref<32x80x128xi32, #tpu.memory_space<hbm>> -> memref<1x80x128xi32, #tpu.memory_space<hbm>>
      %dma_start3A_124 = tpu.memref_squeeze %dma_start3A_123 : memref<1x80x128xi32, #tpu.memory_space<hbm>> -> memref<80x128xi32, #tpu.memory_space<hbm>>
      tpu.enqueue_dma source(%dma_start3A_124 : memref<80x128xi32, #tpu.memory_space<hbm>>) target(%arg11 : memref<80x128xi32, #tpu.memory_space<vmem>>) target_semaphore(%run_scoped3A : memref<!tpu.dma_semaphore, #tpu.memory_space<semaphore_mem>>)
      %dma_wait3A = arith.constant 0 : i32
      %dma_wait3A_125 = arith.constant 0 : i32
      %dma_wait3A_126 = tpu.memref_slice %arg6[%add3A, %dma_wait3A, %dma_wait3A_125] : memref<32x80x128xi32, #tpu.memory_space<hbm>> -> memref<1x80x128xi32, #tpu.memory_space<hbm>>
      %dma_wait3A_127 = tpu.memref_squeeze %dma_wait3A_126 : memref<1x80x128xi32, #tpu.memory_space<hbm>> -> memref<80x128xi32, #tpu.memory_space<hbm>>
      %dma_wait3A_128 = arith.constant 0 : i32
      %dma_wait3A_129 = arith.constant 0 : i32
      %dma_wait3A_130 = tpu.memref_slice %arg6[%add3A, %dma_wait3A_128, %dma_wait3A_129] : memref<32x80x128xi32, #tpu.memory_space<hbm>> -> memref<1x80x128xi32, #tpu.memory_space<hbm>>
      %dma_wait3A_131 = tpu.memref_squeeze %dma_wait3A_130 : memref<1x80x128xi32, #tpu.memory_space<hbm>> -> memref<80x128xi32, #tpu.memory_space<hbm>>
      tpu.wait_dma2 semaphore(%run_scoped3A : memref<!tpu.dma_semaphore, #tpu.memory_space<semaphore_mem>>) src(%dma_wait3A_131 : memref<80x128xi32, #tpu.memory_space<hbm>>) dst(%arg11 : memref<80x128xi32, #tpu.memory_space<vmem>>)
      tpu.yield
    }) : () -> ()
    "tpu.region"() ({
      %run_scoped3A = tpu.sem_alloc : memref<!tpu.dma_semaphore, #tpu.memory_space<semaphore_mem>>
      %dma_start3A_117 = arith.constant 0 : i32
      %dma_start3A_118 = arith.constant 0 : i32
      %dma_start3A_119 = tpu.memref_slice %arg7[%add3A, %dma_start3A_117, %dma_start3A_118] : memref<32x80x128xi32, #tpu.memory_space<hbm>> -> memref<1x80x128xi32, #tpu.memory_space<hbm>>
      %dma_start3A_120 = tpu.memref_squeeze %dma_start3A_119 : memref<1x80x128xi32, #tpu.memory_space<hbm>> -> memref<80x128xi32, #tpu.memory_space<hbm>>
      %dma_start3A_121 = arith.constant 0 : i32
      %dma_start3A_122 = arith.constant 0 : i32
      %dma_start3A_123 = tpu.memref_slice %arg7[%add3A, %dma_start3A_121, %dma_start3A_122] : memref<32x80x128xi32, #tpu.memory_space<hbm>> -> memref<1x80x128xi32, #tpu.memory_space<hbm>>
      %dma_start3A_124 = tpu.memref_squeeze %dma_start3A_123 : memref<1x80x128xi32, #tpu.memory_space<hbm>> -> memref<80x128xi32, #tpu.memory_space<hbm>>
      tpu.enqueue_dma source(%dma_start3A_124 : memref<80x128xi32, #tpu.memory_space<hbm>>) target(%arg12 : memref<80x128xi32, #tpu.memory_space<vmem>>) target_semaphore(%run_scoped3A : memref<!tpu.dma_semaphore, #tpu.memory_space<semaphore_mem>>)
      %dma_wait3A = arith.constant 0 : i32
      %dma_wait3A_125 = arith.constant 0 : i32
      %dma_wait3A_126 = tpu.memref_slice %arg7[%add3A, %dma_wait3A, %dma_wait3A_125] : memref<32x80x128xi32, #tpu.memory_space<hbm>> -> memref<1x80x128xi32, #tpu.memory_space<hbm>>
      %dma_wait3A_127 = tpu.memref_squeeze %dma_wait3A_126 : memref<1x80x128xi32, #tpu.memory_space<hbm>> -> memref<80x128xi32, #tpu.memory_space<hbm>>
      %dma_wait3A_128 = arith.constant 0 : i32
      %dma_wait3A_129 = arith.constant 0 : i32
      %dma_wait3A_130 = tpu.memref_slice %arg7[%add3A, %dma_wait3A_128, %dma_wait3A_129] : memref<32x80x128xi32, #tpu.memory_space<hbm>> -> memref<1x80x128xi32, #tpu.memory_space<hbm>>
      %dma_wait3A_131 = tpu.memref_squeeze %dma_wait3A_130 : memref<1x80x128xi32, #tpu.memory_space<hbm>> -> memref<80x128xi32, #tpu.memory_space<hbm>>
      tpu.wait_dma2 semaphore(%run_scoped3A : memref<!tpu.dma_semaphore, #tpu.memory_space<semaphore_mem>>) src(%dma_wait3A_131 : memref<80x128xi32, #tpu.memory_space<hbm>>) dst(%arg12 : memref<80x128xi32, #tpu.memory_space<vmem>>)
      tpu.yield
    }) : () -> ()
    %mul3A_1 = arith.constant 632 : i32
    %mul3A_2 = arith.muli %arg1, %mul3A_1 : i32
    "tpu.region"() ({
      %run_scoped3A = tpu.sem_alloc : memref<!tpu.dma_semaphore, #tpu.memory_space<semaphore_mem>>
      %dma_start3A_117 = arith.constant 0 : i32
      %dma_start3A_118 = tpu.memref_slice %arg8[%mul3A_2, %dma_start3A_117] : memref<10112x16xf32, #tpu.memory_space<hbm>> -> memref<632x16xf32, #tpu.memory_space<hbm>>
      %dma_start3A_119 = arith.constant 0 : i32
      %dma_start3A_120 = tpu.memref_slice %arg8[%mul3A_2, %dma_start3A_119] : memref<10112x16xf32, #tpu.memory_space<hbm>> -> memref<632x16xf32, #tpu.memory_space<hbm>>
      tpu.enqueue_dma source(%dma_start3A_120 : memref<632x16xf32, #tpu.memory_space<hbm>>) target(%arg14 : memref<632x16xf32, #tpu.memory_space<vmem>>) target_semaphore(%run_scoped3A : memref<!tpu.dma_semaphore, #tpu.memory_space<semaphore_mem>>)
      %dma_wait3A = arith.constant 0 : i32
      %dma_wait3A_121 = tpu.memref_slice %arg8[%mul3A_2, %dma_wait3A] : memref<10112x16xf32, #tpu.memory_space<hbm>> -> memref<632x16xf32, #tpu.memory_space<hbm>>
      %dma_wait3A_122 = arith.constant 0 : i32
      %dma_wait3A_123 = tpu.memref_slice %arg8[%mul3A_2, %dma_wait3A_122] : memref<10112x16xf32, #tpu.memory_space<hbm>> -> memref<632x16xf32, #tpu.memory_space<hbm>>
      tpu.wait_dma2 semaphore(%run_scoped3A : memref<!tpu.dma_semaphore, #tpu.memory_space<semaphore_mem>>) src(%dma_wait3A_123 : memref<632x16xf32, #tpu.memory_space<hbm>>) dst(%arg14 : memref<632x16xf32, #tpu.memory_space<vmem>>)
      tpu.yield
    }) : () -> ()
    "tpu.region"() ({
      %run_scoped3A = tpu.sem_alloc : memref<!tpu.dma_semaphore, #tpu.memory_space<semaphore_mem>>
      %dma_start3A_117 = arith.constant 0 : i32
      %dma_start3A_118 = tpu.memref_slice %arg20[%mul3A_2, %dma_start3A_117] : memref<10112x16xf32, #tpu.memory_space<vmem_shared>> -> memref<632x16xf32, #tpu.memory_space<vmem_shared>>
      %dma_start3A_119 = arith.constant 0 : i32
      %dma_start3A_120 = tpu.memref_slice %arg20[%mul3A_2, %dma_start3A_119] : memref<10112x16xf32, #tpu.memory_space<vmem_shared>> -> memref<632x16xf32, #tpu.memory_space<vmem_shared>>
      tpu.enqueue_dma source(%arg14 : memref<632x16xf32, #tpu.memory_space<vmem>>) target(%dma_start3A_120 : memref<632x16xf32, #tpu.memory_space<vmem_shared>>) target_semaphore(%run_scoped3A : memref<!tpu.dma_semaphore, #tpu.memory_space<semaphore_mem>>)
      %dma_wait3A = arith.constant 0 : i32
      %dma_wait3A_121 = tpu.memref_slice %arg20[%mul3A_2, %dma_wait3A] : memref<10112x16xf32, #tpu.memory_space<vmem_shared>> -> memref<632x16xf32, #tpu.memory_space<vmem_shared>>
      %dma_wait3A_122 = arith.constant 0 : i32
      %dma_wait3A_123 = tpu.memref_slice %arg20[%mul3A_2, %dma_wait3A_122] : memref<10112x16xf32, #tpu.memory_space<vmem_shared>> -> memref<632x16xf32, #tpu.memory_space<vmem_shared>>
      tpu.wait_dma2 semaphore(%run_scoped3A : memref<!tpu.dma_semaphore, #tpu.memory_space<semaphore_mem>>) src(%arg14 : memref<632x16xf32, #tpu.memory_space<vmem>>) dst(%dma_wait3A_123 : memref<632x16xf32, #tpu.memory_space<vmem_shared>>)
      tpu.yield
    }) : () -> ()
    "tpu.region"() ({
      %run_scoped3A = tpu.sem_alloc : memref<!tpu.dma_semaphore, #tpu.memory_space<semaphore_mem>>
      %dma_start3A_117 = arith.constant 0 : i32
      %dma_start3A_118 = tpu.memref_slice %arg2[%mul3A_2, %dma_start3A_117] : memref<20224x16xf32, #tpu.memory_space<hbm>> -> memref<632x16xf32, #tpu.memory_space<hbm>>
      %dma_start3A_119 = arith.constant 0 : i32
      %dma_start3A_120 = tpu.memref_slice %arg2[%mul3A_2, %dma_start3A_119] : memref<20224x16xf32, #tpu.memory_space<hbm>> -> memref<632x16xf32, #tpu.memory_space<hbm>>
      tpu.enqueue_dma source(%dma_start3A_120 : memref<632x16xf32, #tpu.memory_space<hbm>>) target(%arg15 : memref<632x16xf32, #tpu.memory_space<vmem>>) target_semaphore(%run_scoped3A : memref<!tpu.dma_semaphore, #tpu.memory_space<semaphore_mem>>)
      %dma_wait3A = arith.constant 0 : i32
      %dma_wait3A_121 = tpu.memref_slice %arg2[%mul3A_2, %dma_wait3A] : memref<20224x16xf32, #tpu.memory_space<hbm>> -> memref<632x16xf32, #tpu.memory_space<hbm>>
      %dma_wait3A_122 = arith.constant 0 : i32
      %dma_wait3A_123 = tpu.memref_slice %arg2[%mul3A_2, %dma_wait3A_122] : memref<20224x16xf32, #tpu.memory_space<hbm>> -> memref<632x16xf32, #tpu.memory_space<hbm>>
      tpu.wait_dma2 semaphore(%run_scoped3A : memref<!tpu.dma_semaphore, #tpu.memory_space<semaphore_mem>>) src(%dma_wait3A_123 : memref<632x16xf32, #tpu.memory_space<hbm>>) dst(%arg15 : memref<632x16xf32, #tpu.memory_space<vmem>>)
      tpu.yield
    }) : () -> ()
    %add3A_3 = arith.constant 10112 : i32
    %add3A_4 = arith.addi %add3A_3, %mul3A_2 : i32
    "tpu.region"() ({
      %run_scoped3A = tpu.sem_alloc : memref<!tpu.dma_semaphore, #tpu.memory_space<semaphore_mem>>
      %dma_start3A_117 = arith.constant 0 : i32
      %dma_start3A_118 = tpu.memref_slice %arg2[%add3A_4, %dma_start3A_117] : memref<20224x16xf32, #tpu.memory_space<hbm>> -> memref<632x16xf32, #tpu.memory_space<hbm>>
      %dma_start3A_119 = arith.constant 0 : i32
      %dma_start3A_120 = tpu.memref_slice %arg2[%add3A_4, %dma_start3A_119] : memref<20224x16xf32, #tpu.memory_space<hbm>> -> memref<632x16xf32, #tpu.memory_space<hbm>>
      tpu.enqueue_dma source(%dma_start3A_120 : memref<632x16xf32, #tpu.memory_space<hbm>>) target(%arg16 : memref<632x16xf32, #tpu.memory_space<vmem>>) target_semaphore(%run_scoped3A : memref<!tpu.dma_semaphore, #tpu.memory_space<semaphore_mem>>)
      %dma_wait3A = arith.constant 0 : i32
      %dma_wait3A_121 = tpu.memref_slice %arg2[%add3A_4, %dma_wait3A] : memref<20224x16xf32, #tpu.memory_space<hbm>> -> memref<632x16xf32, #tpu.memory_space<hbm>>
      %dma_wait3A_122 = arith.constant 0 : i32
      %dma_wait3A_123 = tpu.memref_slice %arg2[%add3A_4, %dma_wait3A_122] : memref<20224x16xf32, #tpu.memory_space<hbm>> -> memref<632x16xf32, #tpu.memory_space<hbm>>
      tpu.wait_dma2 semaphore(%run_scoped3A : memref<!tpu.dma_semaphore, #tpu.memory_space<semaphore_mem>>) src(%dma_wait3A_123 : memref<632x16xf32, #tpu.memory_space<hbm>>) dst(%arg16 : memref<632x16xf32, #tpu.memory_space<vmem>>)
      tpu.yield
    }) : () -> ()
    "tpu.region"() ({
      %run_scoped3A = tpu.sem_alloc : memref<!tpu.dma_semaphore, #tpu.memory_space<semaphore_mem>>
      %dma_start3A_117 = arith.constant 0 : i32
      %dma_start3A_118 = tpu.memref_slice %arg3[%mul3A_2, %dma_start3A_117] : memref<10112x16xf32, #tpu.memory_space<hbm>> -> memref<632x16xf32, #tpu.memory_space<hbm>>
      %dma_start3A_119 = arith.constant 0 : i32
      %dma_start3A_120 = tpu.memref_slice %arg3[%mul3A_2, %dma_start3A_119] : memref<10112x16xf32, #tpu.memory_space<hbm>> -> memref<632x16xf32, #tpu.memory_space<hbm>>
      tpu.enqueue_dma source(%dma_start3A_120 : memref<632x16xf32, #tpu.memory_space<hbm>>) target(%arg17 : memref<632x16xf32, #tpu.memory_space<vmem>>) target_semaphore(%run_scoped3A : memref<!tpu.dma_semaphore, #tpu.memory_space<semaphore_mem>>)
      %dma_wait3A = arith.constant 0 : i32
      %dma_wait3A_121 = tpu.memref_slice %arg3[%mul3A_2, %dma_wait3A] : memref<10112x16xf32, #tpu.memory_space<hbm>> -> memref<632x16xf32, #tpu.memory_space<hbm>>
      %dma_wait3A_122 = arith.constant 0 : i32
      %dma_wait3A_123 = tpu.memref_slice %arg3[%mul3A_2, %dma_wait3A_122] : memref<10112x16xf32, #tpu.memory_space<hbm>> -> memref<632x16xf32, #tpu.memory_space<hbm>>
      tpu.wait_dma2 semaphore(%run_scoped3A : memref<!tpu.dma_semaphore, #tpu.memory_space<semaphore_mem>>) src(%dma_wait3A_123 : memref<632x16xf32, #tpu.memory_space<hbm>>) dst(%arg17 : memref<632x16xf32, #tpu.memory_space<vmem>>)
      tpu.yield
    }) : () -> ()
    "tpu.region"() ({
      %run_scoped3A = tpu.sem_alloc : memref<!tpu.dma_semaphore, #tpu.memory_space<semaphore_mem>>
      %dma_start3A_117 = arith.constant 0 : i32
      %dma_start3A_118 = tpu.memref_slice %arg4[%mul3A_2, %dma_start3A_117] : memref<10112x16xf32, #tpu.memory_space<hbm>> -> memref<632x16xf32, #tpu.memory_space<hbm>>
      %dma_start3A_119 = arith.constant 0 : i32
      %dma_start3A_120 = tpu.memref_slice %arg4[%mul3A_2, %dma_start3A_119] : memref<10112x16xf32, #tpu.memory_space<hbm>> -> memref<632x16xf32, #tpu.memory_space<hbm>>
      tpu.enqueue_dma source(%dma_start3A_120 : memref<632x16xf32, #tpu.memory_space<hbm>>) target(%arg18 : memref<632x16xf32, #tpu.memory_space<vmem>>) target_semaphore(%run_scoped3A : memref<!tpu.dma_semaphore, #tpu.memory_space<semaphore_mem>>)
      %dma_wait3A = arith.constant 0 : i32
      %dma_wait3A_121 = tpu.memref_slice %arg4[%mul3A_2, %dma_wait3A] : memref<10112x16xf32, #tpu.memory_space<hbm>> -> memref<632x16xf32, #tpu.memory_space<hbm>>
      %dma_wait3A_122 = arith.constant 0 : i32
      %dma_wait3A_123 = tpu.memref_slice %arg4[%mul3A_2, %dma_wait3A_122] : memref<10112x16xf32, #tpu.memory_space<hbm>> -> memref<632x16xf32, #tpu.memory_space<hbm>>
      tpu.wait_dma2 semaphore(%run_scoped3A : memref<!tpu.dma_semaphore, #tpu.memory_space<semaphore_mem>>) src(%dma_wait3A_123 : memref<632x16xf32, #tpu.memory_space<hbm>>) dst(%arg18 : memref<632x16xf32, #tpu.memory_space<vmem>>)
      tpu.yield
    }) : () -> ()
    "tpu.region"() ({
      %run_scoped3A = tpu.sem_alloc : memref<!tpu.dma_semaphore, #tpu.memory_space<semaphore_mem>>
      tpu.enqueue_dma source(%arg5 : memref<16xf32, #tpu.memory_space<hbm>>) target(%arg19 : memref<16xf32, #tpu.memory_space<vmem>>) target_semaphore(%run_scoped3A : memref<!tpu.dma_semaphore, #tpu.memory_space<semaphore_mem>>)
      tpu.wait_dma2 semaphore(%run_scoped3A : memref<!tpu.dma_semaphore, #tpu.memory_space<semaphore_mem>>) src(%arg5 : memref<16xf32, #tpu.memory_space<hbm>>) dst(%arg19 : memref<16xf32, #tpu.memory_space<vmem>>)
      tpu.yield
    }) : () -> ()
    %scan3A = arith.constant 0 : i32
    %scan3A_5 = arith.constant 0 : i32
    %scan3A_6 = arith.constant 632 : i32
    %scan3A_7 = arith.addi %scan3A_5, %scan3A_6 : i32
    %scan3A_8 = arith.constant 1 : i32
    scf.for %scan3A_117 = %scan3A_5 to %scan3A_7 step %scan3A_8  : i32 {
      %get3A = arith.index_cast %scan3A_117 : i32 to index
      %get3A_118 = arith.constant 0 : index
      %get3A_119 = tpu.vector_load %arg18[%get3A, %get3A_118] {strides = array<i32>} : memref<632x16xf32, #tpu.memory_space<vmem>>, vector<1x16xf32>,
      %get3A_120 = vector.shape_cast %get3A_119 : vector<1x16xf32> to vector<16xf32>
      %get3A_121 = arith.index_cast %scan3A_117 : i32 to index
      %get3A_122 = arith.constant 0 : index
      %get3A_123 = tpu.vector_load %arg15[%get3A_121, %get3A_122] {strides = array<i32>} : memref<632x16xf32, #tpu.memory_space<vmem>>, vector<1x16xf32>,
      %get3A_124 = vector.shape_cast %get3A_123 : vector<1x16xf32> to vector<16xf32>
      %get3A_125 = arith.index_cast %scan3A_117 : i32 to index
      %get3A_126 = arith.constant 0 : index
      %get3A_127 = tpu.vector_load %arg16[%get3A_125, %get3A_126] {strides = array<i32>} : memref<632x16xf32, #tpu.memory_space<vmem>>, vector<1x16xf32>,
      %get3A_128 = vector.shape_cast %get3A_127 : vector<1x16xf32> to vector<16xf32>
      %add3A_129 = arith.addf %get3A_124, %get3A_128 : vector<16xf32>
      %get3A_130 = arith.index_cast %scan3A_117 : i32 to index
      %get3A_131 = arith.constant 0 : index
      %get3A_132 = tpu.vector_load %arg17[%get3A_130, %get3A_131] {strides = array<i32>} : memref<632x16xf32, #tpu.memory_space<vmem>>, vector<1x16xf32>,
      %get3A_133 = vector.shape_cast %get3A_132 : vector<1x16xf32> to vector<16xf32>
      %add3A_134 = arith.addf %add3A_129, %get3A_133 : vector<16xf32>
      %mul3A_135 = arith.mulf %add3A_134, %get3A_120 : vector<16xf32>
      %get3A_136 = arith.constant 0 : index
      %get3A_137 = tpu.vector_load %arg19[%get3A_136] {strides = array<i32>} : memref<16xf32, #tpu.memory_space<vmem>>, vector<16xf32>,
      %get3A_138 = vector.shape_cast %get3A_137 : vector<16xf32> to vector<16xf32>
      %add3A_139 = arith.addf %mul3A_135, %get3A_138 : vector<16xf32>
      %max3A = arith.constant 0.000000e+00 : f32
      %max3A_140 = vector.broadcast %max3A : f32 to vector<16xf32>
      %max3A_141 = arith.maximumf %add3A_139, %max3A_140 : vector<16xf32>
      %mul3A_142 = arith.mulf %max3A_141, %get3A_120 : vector<16xf32>
      %add3A_143 = arith.addi %mul3A_2, %scan3A_117 : i32
      %lt3A = arith.constant 10000 : i32
      %lt3A_144 = arith.cmpi slt, %add3A_143, %lt3A : i32
      %broadcast_in_dim3A = arith.constant 0.000000e+00 : f32
      %broadcast_in_dim3A_145 = vector.broadcast %broadcast_in_dim3A : f32 to vector<16xf32>
      %select_n3A = arith.select %lt3A_144, %mul3A_142, %broadcast_in_dim3A_145 : vector<16xf32>
      %swap3A = arith.index_cast %scan3A_117 : i32 to index
      %swap3A_146 = arith.constant 0 : index
      %swap3A_147 = tpu.vector_load %arg17[%swap3A, %swap3A_146] {strides = array<i32>} : memref<632x16xf32, #tpu.memory_space<vmem>>, vector<1x16xf32>,
      %swap3A_148 = vector.shape_cast %swap3A_147 : vector<1x16xf32> to vector<16xf32>
      %swap3A_149 = vector.shape_cast %select_n3A : vector<16xf32> to vector<1x16xf32>
      tpu.vector_store %arg17[%swap3A, %swap3A_146], %swap3A_149 {strides = array<i32>} : memref<632x16xf32, #tpu.memory_space<vmem>>, vector<1x16xf32>,
    }
    %scan3A_9 = arith.constant 632 : i32
    "tpu.region"() ({
      %run_scoped3A = tpu.sem_alloc : memref<!tpu.dma_semaphore, #tpu.memory_space<semaphore_mem>>
      %dma_start3A_117 = arith.constant 0 : i32
      %dma_start3A_118 = tpu.memref_slice %arg21[%mul3A_2, %dma_start3A_117] : memref<10112x16xf32, #tpu.memory_space<vmem_shared>> -> memref<632x16xf32, #tpu.memory_space<vmem_shared>>
      %dma_start3A_119 = arith.constant 0 : i32
      %dma_start3A_120 = tpu.memref_slice %arg21[%mul3A_2, %dma_start3A_119] : memref<10112x16xf32, #tpu.memory_space<vmem_shared>> -> memref<632x16xf32, #tpu.memory_space<vmem_shared>>
      tpu.enqueue_dma source(%arg17 : memref<632x16xf32, #tpu.memory_space<vmem>>) target(%dma_start3A_120 : memref<632x16xf32, #tpu.memory_space<vmem_shared>>) target_semaphore(%run_scoped3A : memref<!tpu.dma_semaphore, #tpu.memory_space<semaphore_mem>>)
      %dma_wait3A = arith.constant 0 : i32
      %dma_wait3A_121 = tpu.memref_slice %arg21[%mul3A_2, %dma_wait3A] : memref<10112x16xf32, #tpu.memory_space<vmem_shared>> -> memref<632x16xf32, #tpu.memory_space<vmem_shared>>
      %dma_wait3A_122 = arith.constant 0 : i32
      %dma_wait3A_123 = tpu.memref_slice %arg21[%mul3A_2, %dma_wait3A_122] : memref<10112x16xf32, #tpu.memory_space<vmem_shared>> -> memref<632x16xf32, #tpu.memory_space<vmem_shared>>
      tpu.wait_dma2 semaphore(%run_scoped3A : memref<!tpu.dma_semaphore, #tpu.memory_space<semaphore_mem>>) src(%arg17 : memref<632x16xf32, #tpu.memory_space<vmem>>) dst(%dma_wait3A_123 : memref<632x16xf32, #tpu.memory_space<vmem_shared>>)
      tpu.yield
    }) : () -> ()
    %eq3A = arith.constant 0 : i32
    %eq3A_10 = arith.cmpi eq, %arg0, %eq3A : i32
    %convert_element_type3A = arith.extui %eq3A_10 : i1 to i32
    %cond3A = arith.constant 0 : i32
    %cond3A_11 = arith.cmpi ne, %convert_element_type3A, %cond3A : i32
    scf.if %cond3A_11 {
      "tpu.region"() ({
        %run_scoped3A = tpu.sem_alloc : memref<!tpu.dma_semaphore, #tpu.memory_space<semaphore_mem>>
        %dma_start3A_117 = arith.constant 0 : i32
        %dma_start3A_118 = tpu.memref_slice %arg10[%mul3A_2, %dma_start3A_117] : memref<10112x16xf32, #tpu.memory_space<hbm>> -> memref<632x16xf32, #tpu.memory_space<hbm>>
        %dma_start3A_119 = arith.constant 0 : i32
        %dma_start3A_120 = tpu.memref_slice %arg10[%mul3A_2, %dma_start3A_119] : memref<10112x16xf32, #tpu.memory_space<hbm>> -> memref<632x16xf32, #tpu.memory_space<hbm>>
        tpu.enqueue_dma source(%arg17 : memref<632x16xf32, #tpu.memory_space<vmem>>) target(%dma_start3A_120 : memref<632x16xf32, #tpu.memory_space<hbm>>) target_semaphore(%run_scoped3A : memref<!tpu.dma_semaphore, #tpu.memory_space<semaphore_mem>>)
        %dma_wait3A = arith.constant 0 : i32
        %dma_wait3A_121 = tpu.memref_slice %arg10[%mul3A_2, %dma_wait3A] : memref<10112x16xf32, #tpu.memory_space<hbm>> -> memref<632x16xf32, #tpu.memory_space<hbm>>
        %dma_wait3A_122 = arith.constant 0 : i32
        %dma_wait3A_123 = tpu.memref_slice %arg10[%mul3A_2, %dma_wait3A_122] : memref<10112x16xf32, #tpu.memory_space<hbm>> -> memref<632x16xf32, #tpu.memory_space<hbm>>
        tpu.wait_dma2 semaphore(%run_scoped3A : memref<!tpu.dma_semaphore, #tpu.memory_space<semaphore_mem>>) src(%arg17 : memref<632x16xf32, #tpu.memory_space<vmem>>) dst(%dma_wait3A_123 : memref<632x16xf32, #tpu.memory_space<hbm>>)
        tpu.yield
      }) : () -> ()
    } else {
    }
    %barrier3A = arith.constant 0 : index
    tpu.barrier barrier_id(%barrier3A)
    %dma_start3A = arith.constant 0 : i32
    %dma_start3A_12 = arith.constant 0 : i32
    %dma_start3A_13 = arith.constant 0 : i32
    %dma_start3A_14 = arith.constant 0 : i32
    %dma_start3A_15 = arith.constant 0 : i32
    %dma_start3A_16 = tpu.memref_slice %arg13[%dma_start3A_12, %dma_start3A_14, %dma_start3A_15] : memref<12x128x16xf32, #tpu.memory_space<vmem>> -> memref<1x128x16xf32, #tpu.memory_space<vmem>>
    %dma_start3A_17 = tpu.memref_squeeze %dma_start3A_16 : memref<1x128x16xf32, #tpu.memory_space<vmem>> -> memref<128x16xf32, #tpu.memory_space<vmem>>
    %dma_start3A_18 = arith.constant 0 : i32
    %dma_start3A_19 = tpu.memref_slice %arg11[%dma_start3A, %dma_start3A_18] : memref<80x128xi32, #tpu.memory_space<vmem>> -> memref<1x128xi32, #tpu.memory_space<vmem>>
    %dma_start3A_20 = tpu.memref_squeeze %dma_start3A_19 : memref<1x128xi32, #tpu.memory_space<vmem>> -> memref<128xi32, #tpu.memory_space<vmem>>
    %dma_start3A_21 = arith.constant 0 : i32
    %dma_start3A_22 = arith.constant 0 : i32
    %dma_start3A_23 = tpu.memref_slice %arg21[%dma_start3A_21, %dma_start3A_22] : memref<10112x16xf32, #tpu.memory_space<vmem_shared>> -> memref<10112x16xf32, #tpu.memory_space<vmem_shared>>
    %dma_start3A_24 = tpu.memref_slice %arg22[%dma_start3A_13] : memref<12x!tpu.dma_semaphore, #tpu.memory_space<semaphore_mem>> -> memref<1x!tpu.dma_semaphore, #tpu.memory_space<semaphore_mem>>
    %dma_start3A_25 = tpu.memref_squeeze %dma_start3A_24 : memref<1x!tpu.dma_semaphore, #tpu.memory_space<semaphore_mem>> -> memref<!tpu.dma_semaphore, #tpu.memory_space<semaphore_mem>>
    tpu.enqueue_indirect_dma source(%dma_start3A_23 : memref<10112x16xf32, #tpu.memory_space<vmem_shared>>) target(%dma_start3A_17 : memref<128x16xf32, #tpu.memory_space<vmem>>) offsets(%dma_start3A_20 : memref<128xi32, #tpu.memory_space<vmem>>) semaphore(%dma_start3A_25 : memref<!tpu.dma_semaphore, #tpu.memory_space<semaphore_mem>>)
    %dma_start3A_26 = arith.constant 1 : i32
    %dma_start3A_27 = arith.constant 1 : i32
    %dma_start3A_28 = arith.constant 1 : i32
    %dma_start3A_29 = arith.constant 0 : i32
    %dma_start3A_30 = arith.constant 0 : i32
    %dma_start3A_31 = tpu.memref_slice %arg13[%dma_start3A_27, %dma_start3A_29, %dma_start3A_30] : memref<12x128x16xf32, #tpu.memory_space<vmem>> -> memref<1x128x16xf32, #tpu.memory_space<vmem>>
    %dma_start3A_32 = tpu.memref_squeeze %dma_start3A_31 : memref<1x128x16xf32, #tpu.memory_space<vmem>> -> memref<128x16xf32, #tpu.memory_space<vmem>>
    %dma_start3A_33 = arith.constant 0 : i32
    %dma_start3A_34 = tpu.memref_slice %arg11[%dma_start3A_26, %dma_start3A_33] : memref<80x128xi32, #tpu.memory_space<vmem>> -> memref<1x128xi32, #tpu.memory_space<vmem>>
    %dma_start3A_35 = tpu.memref_squeeze %dma_start3A_34 : memref<1x128xi32, #tpu.memory_space<vmem>> -> memref<128xi32, #tpu.memory_space<vmem>>
    %dma_start3A_36 = arith.constant 0 : i32
    %dma_start3A_37 = arith.constant 0 : i32
    %dma_start3A_38 = tpu.memref_slice %arg21[%dma_start3A_36, %dma_start3A_37] : memref<10112x16xf32, #tpu.memory_space<vmem_shared>> -> memref<10112x16xf32, #tpu.memory_space<vmem_shared>>
    %dma_start3A_39 = tpu.memref_slice %arg22[%dma_start3A_28] : memref<12x!tpu.dma_semaphore, #tpu.memory_space<semaphore_mem>> -> memref<1x!tpu.dma_semaphore, #tpu.memory_space<semaphore_mem>>
    %dma_start3A_40 = tpu.memref_squeeze %dma_start3A_39 : memref<1x!tpu.dma_semaphore, #tpu.memory_space<semaphore_mem>> -> memref<!tpu.dma_semaphore, #tpu.memory_space<semaphore_mem>>
    tpu.enqueue_indirect_dma source(%dma_start3A_38 : memref<10112x16xf32, #tpu.memory_space<vmem_shared>>) target(%dma_start3A_32 : memref<128x16xf32, #tpu.memory_space<vmem>>) offsets(%dma_start3A_35 : memref<128xi32, #tpu.memory_space<vmem>>) semaphore(%dma_start3A_40 : memref<!tpu.dma_semaphore, #tpu.memory_space<semaphore_mem>>)
    %dma_start3A_41 = arith.constant 2 : i32
    %dma_start3A_42 = arith.constant 2 : i32
    %dma_start3A_43 = arith.constant 2 : i32
    %dma_start3A_44 = arith.constant 0 : i32
    %dma_start3A_45 = arith.constant 0 : i32
    %dma_start3A_46 = tpu.memref_slice %arg13[%dma_start3A_42, %dma_start3A_44, %dma_start3A_45] : memref<12x128x16xf32, #tpu.memory_space<vmem>> -> memref<1x128x16xf32, #tpu.memory_space<vmem>>
    %dma_start3A_47 = tpu.memref_squeeze %dma_start3A_46 : memref<1x128x16xf32, #tpu.memory_space<vmem>> -> memref<128x16xf32, #tpu.memory_space<vmem>>
    %dma_start3A_48 = arith.constant 0 : i32
    %dma_start3A_49 = tpu.memref_slice %arg11[%dma_start3A_41, %dma_start3A_48] : memref<80x128xi32, #tpu.memory_space<vmem>> -> memref<1x128xi32, #tpu.memory_space<vmem>>
    %dma_start3A_50 = tpu.memref_squeeze %dma_start3A_49 : memref<1x128xi32, #tpu.memory_space<vmem>> -> memref<128xi32, #tpu.memory_space<vmem>>
    %dma_start3A_51 = arith.constant 0 : i32
    %dma_start3A_52 = arith.constant 0 : i32
    %dma_start3A_53 = tpu.memref_slice %arg21[%dma_start3A_51, %dma_start3A_52] : memref<10112x16xf32, #tpu.memory_space<vmem_shared>> -> memref<10112x16xf32, #tpu.memory_space<vmem_shared>>
    %dma_start3A_54 = tpu.memref_slice %arg22[%dma_start3A_43] : memref<12x!tpu.dma_semaphore, #tpu.memory_space<semaphore_mem>> -> memref<1x!tpu.dma_semaphore, #tpu.memory_space<semaphore_mem>>
    %dma_start3A_55 = tpu.memref_squeeze %dma_start3A_54 : memref<1x!tpu.dma_semaphore, #tpu.memory_space<semaphore_mem>> -> memref<!tpu.dma_semaphore, #tpu.memory_space<semaphore_mem>>
    tpu.enqueue_indirect_dma source(%dma_start3A_53 : memref<10112x16xf32, #tpu.memory_space<vmem_shared>>) target(%dma_start3A_47 : memref<128x16xf32, #tpu.memory_space<vmem>>) offsets(%dma_start3A_50 : memref<128xi32, #tpu.memory_space<vmem>>) semaphore(%dma_start3A_55 : memref<!tpu.dma_semaphore, #tpu.memory_space<semaphore_mem>>)
    %dma_start3A_56 = arith.constant 3 : i32
    %dma_start3A_57 = arith.constant 3 : i32
    %dma_start3A_58 = arith.constant 3 : i32
    %dma_start3A_59 = arith.constant 0 : i32
    %dma_start3A_60 = arith.constant 0 : i32
    %dma_start3A_61 = tpu.memref_slice %arg13[%dma_start3A_57, %dma_start3A_59, %dma_start3A_60] : memref<12x128x16xf32, #tpu.memory_space<vmem>> -> memref<1x128x16xf32, #tpu.memory_space<vmem>>
    %dma_start3A_62 = tpu.memref_squeeze %dma_start3A_61 : memref<1x128x16xf32, #tpu.memory_space<vmem>> -> memref<128x16xf32, #tpu.memory_space<vmem>>
    %dma_start3A_63 = arith.constant 0 : i32
    %dma_start3A_64 = tpu.memref_slice %arg11[%dma_start3A_56, %dma_start3A_63] : memref<80x128xi32, #tpu.memory_space<vmem>> -> memref<1x128xi32, #tpu.memory_space<vmem>>
    %dma_start3A_65 = tpu.memref_squeeze %dma_start3A_64 : memref<1x128xi32, #tpu.memory_space<vmem>> -> memref<128xi32, #tpu.memory_space<vmem>>
    %dma_start3A_66 = arith.constant 0 : i32
    %dma_start3A_67 = arith.constant 0 : i32
    %dma_start3A_68 = tpu.memref_slice %arg21[%dma_start3A_66, %dma_start3A_67] : memref<10112x16xf32, #tpu.memory_space<vmem_shared>> -> memref<10112x16xf32, #tpu.memory_space<vmem_shared>>
    %dma_start3A_69 = tpu.memref_slice %arg22[%dma_start3A_58] : memref<12x!tpu.dma_semaphore, #tpu.memory_space<semaphore_mem>> -> memref<1x!tpu.dma_semaphore, #tpu.memory_space<semaphore_mem>>
    %dma_start3A_70 = tpu.memref_squeeze %dma_start3A_69 : memref<1x!tpu.dma_semaphore, #tpu.memory_space<semaphore_mem>> -> memref<!tpu.dma_semaphore, #tpu.memory_space<semaphore_mem>>
    tpu.enqueue_indirect_dma source(%dma_start3A_68 : memref<10112x16xf32, #tpu.memory_space<vmem_shared>>) target(%dma_start3A_62 : memref<128x16xf32, #tpu.memory_space<vmem>>) offsets(%dma_start3A_65 : memref<128xi32, #tpu.memory_space<vmem>>) semaphore(%dma_start3A_70 : memref<!tpu.dma_semaphore, #tpu.memory_space<semaphore_mem>>)
    %dma_start3A_71 = arith.constant 4 : i32
    %dma_start3A_72 = arith.constant 4 : i32
    %dma_start3A_73 = arith.constant 4 : i32
    %dma_start3A_74 = arith.constant 0 : i32
    %dma_start3A_75 = arith.constant 0 : i32
    %dma_start3A_76 = tpu.memref_slice %arg13[%dma_start3A_72, %dma_start3A_74, %dma_start3A_75] : memref<12x128x16xf32, #tpu.memory_space<vmem>> -> memref<1x128x16xf32, #tpu.memory_space<vmem>>
    %dma_start3A_77 = tpu.memref_squeeze %dma_start3A_76 : memref<1x128x16xf32, #tpu.memory_space<vmem>> -> memref<128x16xf32, #tpu.memory_space<vmem>>
    %dma_start3A_78 = arith.constant 0 : i32
    %dma_start3A_79 = tpu.memref_slice %arg11[%dma_start3A_71, %dma_start3A_78] : memref<80x128xi32, #tpu.memory_space<vmem>> -> memref<1x128xi32, #tpu.memory_space<vmem>>
    %dma_start3A_80 = tpu.memref_squeeze %dma_start3A_79 : memref<1x128xi32, #tpu.memory_space<vmem>> -> memref<128xi32, #tpu.memory_space<vmem>>
    %dma_start3A_81 = arith.constant 0 : i32
    %dma_start3A_82 = arith.constant 0 : i32
    %dma_start3A_83 = tpu.memref_slice %arg21[%dma_start3A_81, %dma_start3A_82] : memref<10112x16xf32, #tpu.memory_space<vmem_shared>> -> memref<10112x16xf32, #tpu.memory_space<vmem_shared>>
    %dma_start3A_84 = tpu.memref_slice %arg22[%dma_start3A_73] : memref<12x!tpu.dma_semaphore, #tpu.memory_space<semaphore_mem>> -> memref<1x!tpu.dma_semaphore, #tpu.memory_space<semaphore_mem>>
    %dma_start3A_85 = tpu.memref_squeeze %dma_start3A_84 : memref<1x!tpu.dma_semaphore, #tpu.memory_space<semaphore_mem>> -> memref<!tpu.dma_semaphore, #tpu.memory_space<semaphore_mem>>
    tpu.enqueue_indirect_dma source(%dma_start3A_83 : memref<10112x16xf32, #tpu.memory_space<vmem_shared>>) target(%dma_start3A_77 : memref<128x16xf32, #tpu.memory_space<vmem>>) offsets(%dma_start3A_80 : memref<128xi32, #tpu.memory_space<vmem>>) semaphore(%dma_start3A_85 : memref<!tpu.dma_semaphore, #tpu.memory_space<semaphore_mem>>)
    %dma_start3A_86 = arith.constant 5 : i32
    %dma_start3A_87 = arith.constant 5 : i32
    %dma_start3A_88 = arith.constant 5 : i32
    %dma_start3A_89 = arith.constant 0 : i32
    %dma_start3A_90 = arith.constant 0 : i32
    %dma_start3A_91 = tpu.memref_slice %arg13[%dma_start3A_87, %dma_start3A_89, %dma_start3A_90] : memref<12x128x16xf32, #tpu.memory_space<vmem>> -> memref<1x128x16xf32, #tpu.memory_space<vmem>>
    %dma_start3A_92 = tpu.memref_squeeze %dma_start3A_91 : memref<1x128x16xf32, #tpu.memory_space<vmem>> -> memref<128x16xf32, #tpu.memory_space<vmem>>
    %dma_start3A_93 = arith.constant 0 : i32
    %dma_start3A_94 = tpu.memref_slice %arg11[%dma_start3A_86, %dma_start3A_93] : memref<80x128xi32, #tpu.memory_space<vmem>> -> memref<1x128xi32, #tpu.memory_space<vmem>>
    %dma_start3A_95 = tpu.memref_squeeze %dma_start3A_94 : memref<1x128xi32, #tpu.memory_space<vmem>> -> memref<128xi32, #tpu.memory_space<vmem>>
    %dma_start3A_96 = arith.constant 0 : i32
    %dma_start3A_97 = arith.constant 0 : i32
    %dma_start3A_98 = tpu.memref_slice %arg21[%dma_start3A_96, %dma_start3A_97] : memref<10112x16xf32, #tpu.memory_space<vmem_shared>> -> memref<10112x16xf32, #tpu.memory_space<vmem_shared>>
    %dma_start3A_99 = tpu.memref_slice %arg22[%dma_start3A_88] : memref<12x!tpu.dma_semaphore, #tpu.memory_space<semaphore_mem>> -> memref<1x!tpu.dma_semaphore, #tpu.memory_space<semaphore_mem>>
    %dma_start3A_100 = tpu.memref_squeeze %dma_start3A_99 : memref<1x!tpu.dma_semaphore, #tpu.memory_space<semaphore_mem>> -> memref<!tpu.dma_semaphore, #tpu.memory_space<semaphore_mem>>
    tpu.enqueue_indirect_dma source(%dma_start3A_98 : memref<10112x16xf32, #tpu.memory_space<vmem_shared>>) target(%dma_start3A_92 : memref<128x16xf32, #tpu.memory_space<vmem>>) offsets(%dma_start3A_95 : memref<128xi32, #tpu.memory_space<vmem>>) semaphore(%dma_start3A_100 : memref<!tpu.dma_semaphore, #tpu.memory_space<semaphore_mem>>)
    %scan3A_101 = arith.constant 0 : i32
    %scan3A_102 = arith.constant 0 : i32
    %scan3A_103 = arith.constant 80 : i32
    %scan3A_104 = arith.addi %scan3A_102, %scan3A_103 : i32
    %scan3A_105 = arith.constant 1 : i32
    scf.for %scan3A_117 = %scan3A_102 to %scan3A_104 step %scan3A_105  : i32 {
      %rem3A = arith.constant 12 : i32
      %rem3A_118 = arith.remsi %scan3A_117, %rem3A : i32
      %dma_wait3A = arith.constant 0 : i32
      %dma_wait3A_119 = arith.constant 0 : i32
      %dma_wait3A_120 = tpu.memref_slice %arg13[%rem3A_118, %dma_wait3A, %dma_wait3A_119] : memref<12x128x16xf32, #tpu.memory_space<vmem>> -> memref<1x128x16xf32, #tpu.memory_space<vmem>>
      %dma_wait3A_121 = tpu.memref_squeeze %dma_wait3A_120 : memref<1x128x16xf32, #tpu.memory_space<vmem>> -> memref<128x16xf32, #tpu.memory_space<vmem>>
      %dma_wait3A_122 = arith.constant 0 : i32
      %dma_wait3A_123 = tpu.memref_slice %arg11[%scan3A_117, %dma_wait3A_122] : memref<80x128xi32, #tpu.memory_space<vmem>> -> memref<1x128xi32, #tpu.memory_space<vmem>>
      %dma_wait3A_124 = tpu.memref_squeeze %dma_wait3A_123 : memref<1x128xi32, #tpu.memory_space<vmem>> -> memref<128xi32, #tpu.memory_space<vmem>>
      %dma_wait3A_125 = arith.constant 0 : i32
      %dma_wait3A_126 = arith.constant 0 : i32
      %dma_wait3A_127 = tpu.memref_slice %arg21[%dma_wait3A_125, %dma_wait3A_126] : memref<10112x16xf32, #tpu.memory_space<vmem_shared>> -> memref<10112x16xf32, #tpu.memory_space<vmem_shared>>
      %dma_wait3A_128 = tpu.memref_slice %arg22[%rem3A_118] : memref<12x!tpu.dma_semaphore, #tpu.memory_space<semaphore_mem>> -> memref<1x!tpu.dma_semaphore, #tpu.memory_space<semaphore_mem>>
      %dma_wait3A_129 = tpu.memref_squeeze %dma_wait3A_128 : memref<1x!tpu.dma_semaphore, #tpu.memory_space<semaphore_mem>> -> memref<!tpu.dma_semaphore, #tpu.memory_space<semaphore_mem>>
      tpu.wait_indirect_dma semaphore(%dma_wait3A_129 : memref<!tpu.dma_semaphore, #tpu.memory_space<semaphore_mem>>) src(%dma_wait3A_127 : memref<10112x16xf32, #tpu.memory_space<vmem_shared>>) dst(%dma_wait3A_121 : memref<128x16xf32, #tpu.memory_space<vmem>>)
      %dma_start3A_130 = arith.constant 0 : i32
      %dma_start3A_131 = arith.constant 0 : i32
      %dma_start3A_132 = tpu.memref_slice %arg13[%rem3A_118, %dma_start3A_130, %dma_start3A_131] : memref<12x128x16xf32, #tpu.memory_space<vmem>> -> memref<1x128x16xf32, #tpu.memory_space<vmem>>
      %dma_start3A_133 = tpu.memref_squeeze %dma_start3A_132 : memref<1x128x16xf32, #tpu.memory_space<vmem>> -> memref<128x16xf32, #tpu.memory_space<vmem>>
      %dma_start3A_134 = arith.constant 0 : i32
      %dma_start3A_135 = tpu.memref_slice %arg12[%scan3A_117, %dma_start3A_134] : memref<80x128xi32, #tpu.memory_space<vmem>> -> memref<1x128xi32, #tpu.memory_space<vmem>>
      %dma_start3A_136 = tpu.memref_squeeze %dma_start3A_135 : memref<1x128xi32, #tpu.memory_space<vmem>> -> memref<128xi32, #tpu.memory_space<vmem>>
      %dma_start3A_137 = arith.constant 0 : i32
      %dma_start3A_138 = arith.constant 0 : i32
      %dma_start3A_139 = tpu.memref_slice %arg20[%dma_start3A_137, %dma_start3A_138] : memref<10112x16xf32, #tpu.memory_space<vmem_shared>> -> memref<10112x16xf32, #tpu.memory_space<vmem_shared>>
      %dma_start3A_140 = tpu.memref_slice %arg23[%rem3A_118] : memref<12x!tpu.dma_semaphore, #tpu.memory_space<semaphore_mem>> -> memref<1x!tpu.dma_semaphore, #tpu.memory_space<semaphore_mem>>
      %dma_start3A_141 = tpu.memref_squeeze %dma_start3A_140 : memref<1x!tpu.dma_semaphore, #tpu.memory_space<semaphore_mem>> -> memref<!tpu.dma_semaphore, #tpu.memory_space<semaphore_mem>>
      tpu.enqueue_indirect_dma source(%dma_start3A_133 : memref<128x16xf32, #tpu.memory_space<vmem>>) target(%dma_start3A_139 : memref<10112x16xf32, #tpu.memory_space<vmem_shared>>) offsets(%dma_start3A_136 : memref<128xi32, #tpu.memory_space<vmem>>) semaphore(%dma_start3A_141 : memref<!tpu.dma_semaphore, #tpu.memory_space<semaphore_mem>>) {add = true}
      %ge3A = arith.constant 6 : i32
      %ge3A_142 = arith.cmpi sge, %scan3A_117, %ge3A : i32
      %convert_element_type3A_143 = arith.extui %ge3A_142 : i1 to i32
      %cond3A_144 = arith.constant 0 : i32
      %cond3A_145 = arith.cmpi ne, %convert_element_type3A_143, %cond3A_144 : i32
      scf.if %cond3A_145 {
        %sub3A = arith.constant 6 : i32
        %sub3A_152 = arith.subi %scan3A_117, %sub3A : i32
        %rem3A_153 = arith.constant 12 : i32
        %rem3A_154 = arith.remsi %sub3A_152, %rem3A_153 : i32
        %sub3A_155 = arith.constant 6 : i32
        %sub3A_156 = arith.subi %scan3A_117, %sub3A_155 : i32
        %dma_wait3A_157 = arith.constant 0 : i32
        %dma_wait3A_158 = arith.constant 0 : i32
        %dma_wait3A_159 = tpu.memref_slice %arg13[%rem3A_154, %dma_wait3A_157, %dma_wait3A_158] : memref<12x128x16xf32, #tpu.memory_space<vmem>> -> memref<1x128x16xf32, #tpu.memory_space<vmem>>
        %dma_wait3A_160 = tpu.memref_squeeze %dma_wait3A_159 : memref<1x128x16xf32, #tpu.memory_space<vmem>> -> memref<128x16xf32, #tpu.memory_space<vmem>>
        %dma_wait3A_161 = arith.constant 0 : i32
        %dma_wait3A_162 = tpu.memref_slice %arg12[%sub3A_156, %dma_wait3A_161] : memref<80x128xi32, #tpu.memory_space<vmem>> -> memref<1x128xi32, #tpu.memory_space<vmem>>
        %dma_wait3A_163 = tpu.memref_squeeze %dma_wait3A_162 : memref<1x128xi32, #tpu.memory_space<vmem>> -> memref<128xi32, #tpu.memory_space<vmem>>
        %dma_wait3A_164 = arith.constant 0 : i32
        %dma_wait3A_165 = arith.constant 0 : i32
        %dma_wait3A_166 = tpu.memref_slice %arg20[%dma_wait3A_164, %dma_wait3A_165] : memref<10112x16xf32, #tpu.memory_space<vmem_shared>> -> memref<10112x16xf32, #tpu.memory_space<vmem_shared>>
        %dma_wait3A_167 = tpu.memref_slice %arg23[%rem3A_154] : memref<12x!tpu.dma_semaphore, #tpu.memory_space<semaphore_mem>> -> memref<1x!tpu.dma_semaphore, #tpu.memory_space<semaphore_mem>>
        %dma_wait3A_168 = tpu.memref_squeeze %dma_wait3A_167 : memref<1x!tpu.dma_semaphore, #tpu.memory_space<semaphore_mem>> -> memref<!tpu.dma_semaphore, #tpu.memory_space<semaphore_mem>>
        tpu.wait_indirect_dma semaphore(%dma_wait3A_168 : memref<!tpu.dma_semaphore, #tpu.memory_space<semaphore_mem>>) src(%dma_wait3A_160 : memref<128x16xf32, #tpu.memory_space<vmem>>) dst(%dma_wait3A_166 : memref<10112x16xf32, #tpu.memory_space<vmem_shared>>)
      } else {
      }
      %add3A_146 = arith.constant 6 : i32
      %add3A_147 = arith.addi %scan3A_117, %add3A_146 : i32
      %lt3A = arith.constant 80 : i32
      %lt3A_148 = arith.cmpi slt, %add3A_147, %lt3A : i32
      %convert_element_type3A_149 = arith.extui %lt3A_148 : i1 to i32
      %cond3A_150 = arith.constant 0 : i32
      %cond3A_151 = arith.cmpi ne, %convert_element_type3A_149, %cond3A_150 : i32
      scf.if %cond3A_151 {
        %add3A_152 = arith.constant 6 : i32
        %add3A_153 = arith.addi %scan3A_117, %add3A_152 : i32
        %rem3A_154 = arith.constant 12 : i32
        %rem3A_155 = arith.remsi %add3A_153, %rem3A_154 : i32
        %add3A_156 = arith.constant 6 : i32
        %add3A_157 = arith.addi %scan3A_117, %add3A_156 : i32
        %dma_start3A_158 = arith.constant 0 : i32
        %dma_start3A_159 = arith.constant 0 : i32
        %dma_start3A_160 = tpu.memref_slice %arg13[%rem3A_155, %dma_start3A_158, %dma_start3A_159] : memref<12x128x16xf32, #tpu.memory_space<vmem>> -> memref<1x128x16xf32, #tpu.memory_space<vmem>>
        %dma_start3A_161 = tpu.memref_squeeze %dma_start3A_160 : memref<1x128x16xf32, #tpu.memory_space<vmem>> -> memref<128x16xf32, #tpu.memory_space<vmem>>
        %dma_start3A_162 = arith.constant 0 : i32
        %dma_start3A_163 = tpu.memref_slice %arg11[%add3A_157, %dma_start3A_162] : memref<80x128xi32, #tpu.memory_space<vmem>> -> memref<1x128xi32, #tpu.memory_space<vmem>>
        %dma_start3A_164 = tpu.memref_squeeze %dma_start3A_163 : memref<1x128xi32, #tpu.memory_space<vmem>> -> memref<128xi32, #tpu.memory_space<vmem>>
        %dma_start3A_165 = arith.constant 0 : i32
        %dma_start3A_166 = arith.constant 0 : i32
        %dma_start3A_167 = tpu.memref_slice %arg21[%dma_start3A_165, %dma_start3A_166] : memref<10112x16xf32, #tpu.memory_space<vmem_shared>> -> memref<10112x16xf32, #tpu.memory_space<vmem_shared>>
        %dma_start3A_168 = tpu.memref_slice %arg22[%rem3A_155] : memref<12x!tpu.dma_semaphore, #tpu.memory_space<semaphore_mem>> -> memref<1x!tpu.dma_semaphore, #tpu.memory_space<semaphore_mem>>
        %dma_start3A_169 = tpu.memref_squeeze %dma_start3A_168 : memref<1x!tpu.dma_semaphore, #tpu.memory_space<semaphore_mem>> -> memref<!tpu.dma_semaphore, #tpu.memory_space<semaphore_mem>>
        tpu.enqueue_indirect_dma source(%dma_start3A_167 : memref<10112x16xf32, #tpu.memory_space<vmem_shared>>) target(%dma_start3A_161 : memref<128x16xf32, #tpu.memory_space<vmem>>) offsets(%dma_start3A_164 : memref<128xi32, #tpu.memory_space<vmem>>) semaphore(%dma_start3A_169 : memref<!tpu.dma_semaphore, #tpu.memory_space<semaphore_mem>>)
      } else {
      }
    }
    %scan3A_106 = arith.constant 80 : i32
    %scan3A_107 = arith.constant 0 : i32
    %scan3A_108 = arith.constant 74 : i32
    %scan3A_109 = arith.constant 6 : i32
    %scan3A_110 = arith.addi %scan3A_108, %scan3A_109 : i32
    %scan3A_111 = arith.constant 1 : i32
    scf.for %scan3A_117 = %scan3A_108 to %scan3A_110 step %scan3A_111  : i32 {
      %rem3A = arith.constant 12 : i32
      %rem3A_118 = arith.remsi %scan3A_117, %rem3A : i32
      %dma_wait3A = arith.constant 0 : i32
      %dma_wait3A_119 = arith.constant 0 : i32
      %dma_wait3A_120 = tpu.memref_slice %arg13[%rem3A_118, %dma_wait3A, %dma_wait3A_119] : memref<12x128x16xf32, #tpu.memory_space<vmem>> -> memref<1x128x16xf32, #tpu.memory_space<vmem>>
      %dma_wait3A_121 = tpu.memref_squeeze %dma_wait3A_120 : memref<1x128x16xf32, #tpu.memory_space<vmem>> -> memref<128x16xf32, #tpu.memory_space<vmem>>
      %dma_wait3A_122 = arith.constant 0 : i32
      %dma_wait3A_123 = tpu.memref_slice %arg12[%scan3A_117, %dma_wait3A_122] : memref<80x128xi32, #tpu.memory_space<vmem>> -> memref<1x128xi32, #tpu.memory_space<vmem>>
      %dma_wait3A_124 = tpu.memref_squeeze %dma_wait3A_123 : memref<1x128xi32, #tpu.memory_space<vmem>> -> memref<128xi32, #tpu.memory_space<vmem>>
      %dma_wait3A_125 = arith.constant 0 : i32
      %dma_wait3A_126 = arith.constant 0 : i32
      %dma_wait3A_127 = tpu.memref_slice %arg20[%dma_wait3A_125, %dma_wait3A_126] : memref<10112x16xf32, #tpu.memory_space<vmem_shared>> -> memref<10112x16xf32, #tpu.memory_space<vmem_shared>>
      %dma_wait3A_128 = tpu.memref_slice %arg23[%rem3A_118] : memref<12x!tpu.dma_semaphore, #tpu.memory_space<semaphore_mem>> -> memref<1x!tpu.dma_semaphore, #tpu.memory_space<semaphore_mem>>
      %dma_wait3A_129 = tpu.memref_squeeze %dma_wait3A_128 : memref<1x!tpu.dma_semaphore, #tpu.memory_space<semaphore_mem>> -> memref<!tpu.dma_semaphore, #tpu.memory_space<semaphore_mem>>
      tpu.wait_indirect_dma semaphore(%dma_wait3A_129 : memref<!tpu.dma_semaphore, #tpu.memory_space<semaphore_mem>>) src(%dma_wait3A_121 : memref<128x16xf32, #tpu.memory_space<vmem>>) dst(%dma_wait3A_127 : memref<10112x16xf32, #tpu.memory_space<vmem_shared>>)
    }
    %scan3A_112 = arith.constant 6 : i32
    %barrier3A_113 = arith.constant 0 : index
    tpu.barrier barrier_id(%barrier3A_113)
    "tpu.region"() ({
      %run_scoped3A = tpu.sem_alloc : memref<!tpu.dma_semaphore, #tpu.memory_space<semaphore_mem>>
      %dma_start3A_117 = arith.constant 0 : i32
      %dma_start3A_118 = tpu.memref_slice %arg20[%mul3A_2, %dma_start3A_117] : memref<10112x16xf32, #tpu.memory_space<vmem_shared>> -> memref<632x16xf32, #tpu.memory_space<vmem_shared>>
      %dma_start3A_119 = arith.constant 0 : i32
      %dma_start3A_120 = tpu.memref_slice %arg20[%mul3A_2, %dma_start3A_119] : memref<10112x16xf32, #tpu.memory_space<vmem_shared>> -> memref<632x16xf32, #tpu.memory_space<vmem_shared>>
      tpu.enqueue_dma source(%dma_start3A_120 : memref<632x16xf32, #tpu.memory_space<vmem_shared>>) target(%arg14 : memref<632x16xf32, #tpu.memory_space<vmem>>) target_semaphore(%run_scoped3A : memref<!tpu.dma_semaphore, #tpu.memory_space<semaphore_mem>>)
      %dma_wait3A = arith.constant 0 : i32
      %dma_wait3A_121 = tpu.memref_slice %arg20[%mul3A_2, %dma_wait3A] : memref<10112x16xf32, #tpu.memory_space<vmem_shared>> -> memref<632x16xf32, #tpu.memory_space<vmem_shared>>
      %dma_wait3A_122 = arith.constant 0 : i32
      %dma_wait3A_123 = tpu.memref_slice %arg20[%mul3A_2, %dma_wait3A_122] : memref<10112x16xf32, #tpu.memory_space<vmem_shared>> -> memref<632x16xf32, #tpu.memory_space<vmem_shared>>
      tpu.wait_dma2 semaphore(%run_scoped3A : memref<!tpu.dma_semaphore, #tpu.memory_space<semaphore_mem>>) src(%dma_wait3A_123 : memref<632x16xf32, #tpu.memory_space<vmem_shared>>) dst(%arg14 : memref<632x16xf32, #tpu.memory_space<vmem>>)
      tpu.yield
    }) : () -> ()
    %mul3A_114 = arith.constant 10112 : i32
    %mul3A_115 = arith.muli %arg0, %mul3A_114 : i32
    %add3A_116 = arith.addi %mul3A_115, %mul3A_2 : i32
    "tpu.region"() ({
      %run_scoped3A = tpu.sem_alloc : memref<!tpu.dma_semaphore, #tpu.memory_space<semaphore_mem>>
      %dma_start3A_117 = arith.constant 0 : i32
      %dma_start3A_118 = tpu.memref_slice %arg9[%add3A_116, %dma_start3A_117] : memref<20224x16xf32, #tpu.memory_space<hbm>> -> memref<632x16xf32, #tpu.memory_space<hbm>>
      %dma_start3A_119 = arith.constant 0 : i32
      %dma_start3A_120 = tpu.memref_slice %arg9[%add3A_116, %dma_start3A_119] : memref<20224x16xf32, #tpu.memory_space<hbm>> -> memref<632x16xf32, #tpu.memory_space<hbm>>
      tpu.enqueue_dma source(%arg14 : memref<632x16xf32, #tpu.memory_space<vmem>>) target(%dma_start3A_120 : memref<632x16xf32, #tpu.memory_space<hbm>>) target_semaphore(%run_scoped3A : memref<!tpu.dma_semaphore, #tpu.memory_space<semaphore_mem>>)
      %dma_wait3A = arith.constant 0 : i32
      %dma_wait3A_121 = tpu.memref_slice %arg9[%add3A_116, %dma_wait3A] : memref<20224x16xf32, #tpu.memory_space<hbm>> -> memref<632x16xf32, #tpu.memory_space<hbm>>
      %dma_wait3A_122 = arith.constant 0 : i32
      %dma_wait3A_123 = tpu.memref_slice %arg9[%add3A_116, %dma_wait3A_122] : memref<20224x16xf32, #tpu.memory_space<hbm>> -> memref<632x16xf32, #tpu.memory_space<hbm>>
      tpu.wait_dma2 semaphore(%run_scoped3A : memref<!tpu.dma_semaphore, #tpu.memory_space<semaphore_mem>>) src(%arg14 : memref<632x16xf32, #tpu.memory_space<vmem>>) dst(%dma_wait3A_123 : memref<632x16xf32, #tpu.memory_space<hbm>>)
      tpu.yield
    }) : () -> ()
    return
  }
}

#map = affine_map<(d0, d1) -> (0, 0, 0)>
#map1 = affine_map<(d0, d1) -> (0)>
module attributes {stable_mosaic.version = 14 : i64} {
  func.func @_sc_deg(%arg0: i32, %arg1: i32, %arg2: memref<32x80x128xi32, #tpu.memory_space<hbm>>, %arg3: memref<10112xf32, #tpu.memory_space<hbm>>, %arg4: memref<20224xf32, #tpu.memory_space<hbm>>, %arg5: memref<80x128xi32, #tpu.memory_space<vmem>>, %arg6: memref<128xf32, #tpu.memory_space<vmem>>, %arg7: memref<632xf32, #tpu.memory_space<vmem>>, %arg8: memref<10112xf32, #tpu.memory_space<vmem_shared>>, %arg9: memref<12x!tpu.dma_semaphore, #tpu.memory_space<semaphore_mem>>) attributes {dimension_semantics = [#tpu.dimension_semantics<core_parallel>, #tpu.dimension_semantics<subcore_parallel>], iteration_bounds = array<i64: 2, 16>, scalar_prefetch = 0 : i64, scratch_operands = 5 : i64, tpu.core_type = #tpu.core_type<sc_vector_subcore>, window_params = [{transform_indices = #map}, {transform_indices = #map1}, {transform_indices = #map1}]} {
    %mul3A = arith.constant 2 : i32
    %mul3A_0 = arith.muli %arg1, %mul3A : i32
    %add3A = arith.addi %mul3A_0, %arg0 : i32
    "tpu.region"() ({
      %run_scoped3A = tpu.sem_alloc : memref<!tpu.dma_semaphore, #tpu.memory_space<semaphore_mem>>
      %dma_start3A = arith.constant 0 : i32
      %dma_start3A_64 = arith.constant 0 : i32
      %dma_start3A_65 = tpu.memref_slice %arg2[%add3A, %dma_start3A, %dma_start3A_64] : memref<32x80x128xi32, #tpu.memory_space<hbm>> -> memref<1x80x128xi32, #tpu.memory_space<hbm>>
      %dma_start3A_66 = tpu.memref_squeeze %dma_start3A_65 : memref<1x80x128xi32, #tpu.memory_space<hbm>> -> memref<80x128xi32, #tpu.memory_space<hbm>>
      %dma_start3A_67 = arith.constant 0 : i32
      %dma_start3A_68 = arith.constant 0 : i32
      %dma_start3A_69 = tpu.memref_slice %arg2[%add3A, %dma_start3A_67, %dma_start3A_68] : memref<32x80x128xi32, #tpu.memory_space<hbm>> -> memref<1x80x128xi32, #tpu.memory_space<hbm>>
      %dma_start3A_70 = tpu.memref_squeeze %dma_start3A_69 : memref<1x80x128xi32, #tpu.memory_space<hbm>> -> memref<80x128xi32, #tpu.memory_space<hbm>>
      tpu.enqueue_dma source(%dma_start3A_70 : memref<80x128xi32, #tpu.memory_space<hbm>>) target(%arg5 : memref<80x128xi32, #tpu.memory_space<vmem>>) target_semaphore(%run_scoped3A : memref<!tpu.dma_semaphore, #tpu.memory_space<semaphore_mem>>)
      %dma_wait3A = arith.constant 0 : i32
      %dma_wait3A_71 = arith.constant 0 : i32
      %dma_wait3A_72 = tpu.memref_slice %arg2[%add3A, %dma_wait3A, %dma_wait3A_71] : memref<32x80x128xi32, #tpu.memory_space<hbm>> -> memref<1x80x128xi32, #tpu.memory_space<hbm>>
      %dma_wait3A_73 = tpu.memref_squeeze %dma_wait3A_72 : memref<1x80x128xi32, #tpu.memory_space<hbm>> -> memref<80x128xi32, #tpu.memory_space<hbm>>
      %dma_wait3A_74 = arith.constant 0 : i32
      %dma_wait3A_75 = arith.constant 0 : i32
      %dma_wait3A_76 = tpu.memref_slice %arg2[%add3A, %dma_wait3A_74, %dma_wait3A_75] : memref<32x80x128xi32, #tpu.memory_space<hbm>> -> memref<1x80x128xi32, #tpu.memory_space<hbm>>
      %dma_wait3A_77 = tpu.memref_squeeze %dma_wait3A_76 : memref<1x80x128xi32, #tpu.memory_space<hbm>> -> memref<80x128xi32, #tpu.memory_space<hbm>>
      tpu.wait_dma2 semaphore(%run_scoped3A : memref<!tpu.dma_semaphore, #tpu.memory_space<semaphore_mem>>) src(%dma_wait3A_77 : memref<80x128xi32, #tpu.memory_space<hbm>>) dst(%arg5 : memref<80x128xi32, #tpu.memory_space<vmem>>)
      tpu.yield
    }) : () -> ()
    %broadcast_in_dim3A = arith.constant 1.000000e+00 : f32
    %broadcast_in_dim3A_1 = vector.broadcast %broadcast_in_dim3A : f32 to vector<16xf32>
    %swap3A = arith.constant 0 : index
    %swap3A_2 = tpu.vector_load %arg6[%swap3A] {strides = array<i32>} : memref<128xf32, #tpu.memory_space<vmem>>, vector<16xf32>,
    %swap3A_3 = vector.shape_cast %swap3A_2 : vector<16xf32> to vector<16xf32>
    %swap3A_4 = vector.shape_cast %broadcast_in_dim3A_1 : vector<16xf32> to vector<16xf32>
    tpu.vector_store %arg6[%swap3A], %swap3A_4 {strides = array<i32>} : memref<128xf32, #tpu.memory_space<vmem>>, vector<16xf32>,
    %broadcast_in_dim3A_5 = arith.constant 1.000000e+00 : f32
    %broadcast_in_dim3A_6 = vector.broadcast %broadcast_in_dim3A_5 : f32 to vector<16xf32>
    %swap3A_7 = arith.constant 16 : index
    %swap3A_8 = tpu.vector_load %arg6[%swap3A_7] {strides = array<i32>} : memref<128xf32, #tpu.memory_space<vmem>>, vector<16xf32>,
    %swap3A_9 = vector.shape_cast %swap3A_8 : vector<16xf32> to vector<16xf32>
    %swap3A_10 = vector.shape_cast %broadcast_in_dim3A_6 : vector<16xf32> to vector<16xf32>
    tpu.vector_store %arg6[%swap3A_7], %swap3A_10 {strides = array<i32>} : memref<128xf32, #tpu.memory_space<vmem>>, vector<16xf32>,
    %broadcast_in_dim3A_11 = arith.constant 1.000000e+00 : f32
    %broadcast_in_dim3A_12 = vector.broadcast %broadcast_in_dim3A_11 : f32 to vector<16xf32>
    %swap3A_13 = arith.constant 32 : index
    %swap3A_14 = tpu.vector_load %arg6[%swap3A_13] {strides = array<i32>} : memref<128xf32, #tpu.memory_space<vmem>>, vector<16xf32>,
    %swap3A_15 = vector.shape_cast %swap3A_14 : vector<16xf32> to vector<16xf32>
    %swap3A_16 = vector.shape_cast %broadcast_in_dim3A_12 : vector<16xf32> to vector<16xf32>
    tpu.vector_store %arg6[%swap3A_13], %swap3A_16 {strides = array<i32>} : memref<128xf32, #tpu.memory_space<vmem>>, vector<16xf32>,
    %broadcast_in_dim3A_17 = arith.constant 1.000000e+00 : f32
    %broadcast_in_dim3A_18 = vector.broadcast %broadcast_in_dim3A_17 : f32 to vector<16xf32>
    %swap3A_19 = arith.constant 48 : index
    %swap3A_20 = tpu.vector_load %arg6[%swap3A_19] {strides = array<i32>} : memref<128xf32, #tpu.memory_space<vmem>>, vector<16xf32>,
    %swap3A_21 = vector.shape_cast %swap3A_20 : vector<16xf32> to vector<16xf32>
    %swap3A_22 = vector.shape_cast %broadcast_in_dim3A_18 : vector<16xf32> to vector<16xf32>
    tpu.vector_store %arg6[%swap3A_19], %swap3A_22 {strides = array<i32>} : memref<128xf32, #tpu.memory_space<vmem>>, vector<16xf32>,
    %broadcast_in_dim3A_23 = arith.constant 1.000000e+00 : f32
    %broadcast_in_dim3A_24 = vector.broadcast %broadcast_in_dim3A_23 : f32 to vector<16xf32>
    %swap3A_25 = arith.constant 64 : index
    %swap3A_26 = tpu.vector_load %arg6[%swap3A_25] {strides = array<i32>} : memref<128xf32, #tpu.memory_space<vmem>>, vector<16xf32>,
    %swap3A_27 = vector.shape_cast %swap3A_26 : vector<16xf32> to vector<16xf32>
    %swap3A_28 = vector.shape_cast %broadcast_in_dim3A_24 : vector<16xf32> to vector<16xf32>
    tpu.vector_store %arg6[%swap3A_25], %swap3A_28 {strides = array<i32>} : memref<128xf32, #tpu.memory_space<vmem>>, vector<16xf32>,
    %broadcast_in_dim3A_29 = arith.constant 1.000000e+00 : f32
    %broadcast_in_dim3A_30 = vector.broadcast %broadcast_in_dim3A_29 : f32 to vector<16xf32>
    %swap3A_31 = arith.constant 80 : index
    %swap3A_32 = tpu.vector_load %arg6[%swap3A_31] {strides = array<i32>} : memref<128xf32, #tpu.memory_space<vmem>>, vector<16xf32>,
    %swap3A_33 = vector.shape_cast %swap3A_32 : vector<16xf32> to vector<16xf32>
    %swap3A_34 = vector.shape_cast %broadcast_in_dim3A_30 : vector<16xf32> to vector<16xf32>
    tpu.vector_store %arg6[%swap3A_31], %swap3A_34 {strides = array<i32>} : memref<128xf32, #tpu.memory_space<vmem>>, vector<16xf32>,
    %broadcast_in_dim3A_35 = arith.constant 1.000000e+00 : f32
    %broadcast_in_dim3A_36 = vector.broadcast %broadcast_in_dim3A_35 : f32 to vector<16xf32>
    %swap3A_37 = arith.constant 96 : index
    %swap3A_38 = tpu.vector_load %arg6[%swap3A_37] {strides = array<i32>} : memref<128xf32, #tpu.memory_space<vmem>>, vector<16xf32>,
    %swap3A_39 = vector.shape_cast %swap3A_38 : vector<16xf32> to vector<16xf32>
    %swap3A_40 = vector.shape_cast %broadcast_in_dim3A_36 : vector<16xf32> to vector<16xf32>
    tpu.vector_store %arg6[%swap3A_37], %swap3A_40 {strides = array<i32>} : memref<128xf32, #tpu.memory_space<vmem>>, vector<16xf32>,
    %broadcast_in_dim3A_41 = arith.constant 1.000000e+00 : f32
    %broadcast_in_dim3A_42 = vector.broadcast %broadcast_in_dim3A_41 : f32 to vector<16xf32>
    %swap3A_43 = arith.constant 112 : index
    %swap3A_44 = tpu.vector_load %arg6[%swap3A_43] {strides = array<i32>} : memref<128xf32, #tpu.memory_space<vmem>>, vector<16xf32>,
    %swap3A_45 = vector.shape_cast %swap3A_44 : vector<16xf32> to vector<16xf32>
    %swap3A_46 = vector.shape_cast %broadcast_in_dim3A_42 : vector<16xf32> to vector<16xf32>
    tpu.vector_store %arg6[%swap3A_43], %swap3A_46 {strides = array<i32>} : memref<128xf32, #tpu.memory_space<vmem>>, vector<16xf32>,
    %mul3A_47 = arith.constant 632 : i32
    %mul3A_48 = arith.muli %arg1, %mul3A_47 : i32
    "tpu.region"() ({
      %run_scoped3A = tpu.sem_alloc : memref<!tpu.dma_semaphore, #tpu.memory_space<semaphore_mem>>
      %dma_start3A = tpu.memref_slice %arg3[%mul3A_48] : memref<10112xf32, #tpu.memory_space<hbm>> -> memref<632xf32, #tpu.memory_space<hbm>>
      %dma_start3A_64 = tpu.memref_slice %arg3[%mul3A_48] : memref<10112xf32, #tpu.memory_space<hbm>> -> memref<632xf32, #tpu.memory_space<hbm>>
      tpu.enqueue_dma source(%dma_start3A_64 : memref<632xf32, #tpu.memory_space<hbm>>) target(%arg7 : memref<632xf32, #tpu.memory_space<vmem>>) target_semaphore(%run_scoped3A : memref<!tpu.dma_semaphore, #tpu.memory_space<semaphore_mem>>)
      %dma_wait3A = tpu.memref_slice %arg3[%mul3A_48] : memref<10112xf32, #tpu.memory_space<hbm>> -> memref<632xf32, #tpu.memory_space<hbm>>
      %dma_wait3A_65 = tpu.memref_slice %arg3[%mul3A_48] : memref<10112xf32, #tpu.memory_space<hbm>> -> memref<632xf32, #tpu.memory_space<hbm>>
      tpu.wait_dma2 semaphore(%run_scoped3A : memref<!tpu.dma_semaphore, #tpu.memory_space<semaphore_mem>>) src(%dma_wait3A_65 : memref<632xf32, #tpu.memory_space<hbm>>) dst(%arg7 : memref<632xf32, #tpu.memory_space<vmem>>)
      tpu.yield
    }) : () -> ()
    "tpu.region"() ({
      %run_scoped3A = tpu.sem_alloc : memref<!tpu.dma_semaphore, #tpu.memory_space<semaphore_mem>>
      %dma_start3A = tpu.memref_slice %arg8[%mul3A_48] : memref<10112xf32, #tpu.memory_space<vmem_shared>> -> memref<632xf32, #tpu.memory_space<vmem_shared>>
      %dma_start3A_64 = tpu.memref_slice %arg8[%mul3A_48] : memref<10112xf32, #tpu.memory_space<vmem_shared>> -> memref<632xf32, #tpu.memory_space<vmem_shared>>
      tpu.enqueue_dma source(%arg7 : memref<632xf32, #tpu.memory_space<vmem>>) target(%dma_start3A_64 : memref<632xf32, #tpu.memory_space<vmem_shared>>) target_semaphore(%run_scoped3A : memref<!tpu.dma_semaphore, #tpu.memory_space<semaphore_mem>>)
      %dma_wait3A = tpu.memref_slice %arg8[%mul3A_48] : memref<10112xf32, #tpu.memory_space<vmem_shared>> -> memref<632xf32, #tpu.memory_space<vmem_shared>>
      %dma_wait3A_65 = tpu.memref_slice %arg8[%mul3A_48] : memref<10112xf32, #tpu.memory_space<vmem_shared>> -> memref<632xf32, #tpu.memory_space<vmem_shared>>
      tpu.wait_dma2 semaphore(%run_scoped3A : memref<!tpu.dma_semaphore, #tpu.memory_space<semaphore_mem>>) src(%arg7 : memref<632xf32, #tpu.memory_space<vmem>>) dst(%dma_wait3A_65 : memref<632xf32, #tpu.memory_space<vmem_shared>>)
      tpu.yield
    }) : () -> ()
    %barrier3A = arith.constant 0 : index
    tpu.barrier barrier_id(%barrier3A)
    %scan3A = arith.constant 0 : i32
    %scan3A_49 = arith.constant 0 : i32
    %scan3A_50 = arith.constant 80 : i32
    %scan3A_51 = arith.addi %scan3A_49, %scan3A_50 : i32
    %scan3A_52 = arith.constant 1 : i32
    scf.for %scan3A_64 = %scan3A_49 to %scan3A_51 step %scan3A_52  : i32 {
      %rem3A = arith.constant 12 : i32
      %rem3A_65 = arith.remsi %scan3A_64, %rem3A : i32
      %dma_start3A = arith.constant 0 : i32
      %dma_start3A_66 = tpu.memref_slice %arg5[%scan3A_64, %dma_start3A] : memref<80x128xi32, #tpu.memory_space<vmem>> -> memref<1x128xi32, #tpu.memory_space<vmem>>
      %dma_start3A_67 = tpu.memref_squeeze %dma_start3A_66 : memref<1x128xi32, #tpu.memory_space<vmem>> -> memref<128xi32, #tpu.memory_space<vmem>>
      %dma_start3A_68 = arith.constant 0 : i32
      %dma_start3A_69 = tpu.memref_slice %arg8[%dma_start3A_68] : memref<10112xf32, #tpu.memory_space<vmem_shared>> -> memref<10112xf32, #tpu.memory_space<vmem_shared>>
      %dma_start3A_70 = tpu.memref_slice %arg9[%rem3A_65] : memref<12x!tpu.dma_semaphore, #tpu.memory_space<semaphore_mem>> -> memref<1x!tpu.dma_semaphore, #tpu.memory_space<semaphore_mem>>
      %dma_start3A_71 = tpu.memref_squeeze %dma_start3A_70 : memref<1x!tpu.dma_semaphore, #tpu.memory_space<semaphore_mem>> -> memref<!tpu.dma_semaphore, #tpu.memory_space<semaphore_mem>>
      tpu.enqueue_indirect_dma source(%arg6 : memref<128xf32, #tpu.memory_space<vmem>>) target(%dma_start3A_69 : memref<10112xf32, #tpu.memory_space<vmem_shared>>) offsets(%dma_start3A_67 : memref<128xi32, #tpu.memory_space<vmem>>) semaphore(%dma_start3A_71 : memref<!tpu.dma_semaphore, #tpu.memory_space<semaphore_mem>>) {add = true}
      %ge3A = arith.constant 6 : i32
      %ge3A_72 = arith.cmpi sge, %scan3A_64, %ge3A : i32
      %convert_element_type3A = arith.extui %ge3A_72 : i1 to i32
      %cond3A = arith.constant 0 : i32
      %cond3A_73 = arith.cmpi ne, %convert_element_type3A, %cond3A : i32
      scf.if %cond3A_73 {
        %sub3A = arith.constant 6 : i32
        %sub3A_74 = arith.subi %scan3A_64, %sub3A : i32
        %rem3A_75 = arith.constant 12 : i32
        %rem3A_76 = arith.remsi %sub3A_74, %rem3A_75 : i32
        %sub3A_77 = arith.constant 6 : i32
        %sub3A_78 = arith.subi %scan3A_64, %sub3A_77 : i32
        %dma_wait3A = arith.constant 0 : i32
        %dma_wait3A_79 = tpu.memref_slice %arg5[%sub3A_78, %dma_wait3A] : memref<80x128xi32, #tpu.memory_space<vmem>> -> memref<1x128xi32, #tpu.memory_space<vmem>>
        %dma_wait3A_80 = tpu.memref_squeeze %dma_wait3A_79 : memref<1x128xi32, #tpu.memory_space<vmem>> -> memref<128xi32, #tpu.memory_space<vmem>>
        %dma_wait3A_81 = arith.constant 0 : i32
        %dma_wait3A_82 = tpu.memref_slice %arg8[%dma_wait3A_81] : memref<10112xf32, #tpu.memory_space<vmem_shared>> -> memref<10112xf32, #tpu.memory_space<vmem_shared>>
        %dma_wait3A_83 = tpu.memref_slice %arg9[%rem3A_76] : memref<12x!tpu.dma_semaphore, #tpu.memory_space<semaphore_mem>> -> memref<1x!tpu.dma_semaphore, #tpu.memory_space<semaphore_mem>>
        %dma_wait3A_84 = tpu.memref_squeeze %dma_wait3A_83 : memref<1x!tpu.dma_semaphore, #tpu.memory_space<semaphore_mem>> -> memref<!tpu.dma_semaphore, #tpu.memory_space<semaphore_mem>>
        tpu.wait_indirect_dma semaphore(%dma_wait3A_84 : memref<!tpu.dma_semaphore, #tpu.memory_space<semaphore_mem>>) src(%arg6 : memref<128xf32, #tpu.memory_space<vmem>>) dst(%dma_wait3A_82 : memref<10112xf32, #tpu.memory_space<vmem_shared>>)
      } else {
      }
    }
    %scan3A_53 = arith.constant 80 : i32
    %scan3A_54 = arith.constant 0 : i32
    %scan3A_55 = arith.constant 74 : i32
    %scan3A_56 = arith.constant 6 : i32
    %scan3A_57 = arith.addi %scan3A_55, %scan3A_56 : i32
    %scan3A_58 = arith.constant 1 : i32
    scf.for %scan3A_64 = %scan3A_55 to %scan3A_57 step %scan3A_58  : i32 {
      %rem3A = arith.constant 12 : i32
      %rem3A_65 = arith.remsi %scan3A_64, %rem3A : i32
      %dma_wait3A = arith.constant 0 : i32
      %dma_wait3A_66 = tpu.memref_slice %arg5[%scan3A_64, %dma_wait3A] : memref<80x128xi32, #tpu.memory_space<vmem>> -> memref<1x128xi32, #tpu.memory_space<vmem>>
      %dma_wait3A_67 = tpu.memref_squeeze %dma_wait3A_66 : memref<1x128xi32, #tpu.memory_space<vmem>> -> memref<128xi32, #tpu.memory_space<vmem>>
      %dma_wait3A_68 = arith.constant 0 : i32
      %dma_wait3A_69 = tpu.memref_slice %arg8[%dma_wait3A_68] : memref<10112xf32, #tpu.memory_space<vmem_shared>> -> memref<10112xf32, #tpu.memory_space<vmem_shared>>
      %dma_wait3A_70 = tpu.memref_slice %arg9[%rem3A_65] : memref<12x!tpu.dma_semaphore, #tpu.memory_space<semaphore_mem>> -> memref<1x!tpu.dma_semaphore, #tpu.memory_space<semaphore_mem>>
      %dma_wait3A_71 = tpu.memref_squeeze %dma_wait3A_70 : memref<1x!tpu.dma_semaphore, #tpu.memory_space<semaphore_mem>> -> memref<!tpu.dma_semaphore, #tpu.memory_space<semaphore_mem>>
      tpu.wait_indirect_dma semaphore(%dma_wait3A_71 : memref<!tpu.dma_semaphore, #tpu.memory_space<semaphore_mem>>) src(%arg6 : memref<128xf32, #tpu.memory_space<vmem>>) dst(%dma_wait3A_69 : memref<10112xf32, #tpu.memory_space<vmem_shared>>)
    }
    %scan3A_59 = arith.constant 6 : i32
    %barrier3A_60 = arith.constant 0 : index
    tpu.barrier barrier_id(%barrier3A_60)
    "tpu.region"() ({
      %run_scoped3A = tpu.sem_alloc : memref<!tpu.dma_semaphore, #tpu.memory_space<semaphore_mem>>
      %dma_start3A = tpu.memref_slice %arg8[%mul3A_48] : memref<10112xf32, #tpu.memory_space<vmem_shared>> -> memref<632xf32, #tpu.memory_space<vmem_shared>>
      %dma_start3A_64 = tpu.memref_slice %arg8[%mul3A_48] : memref<10112xf32, #tpu.memory_space<vmem_shared>> -> memref<632xf32, #tpu.memory_space<vmem_shared>>
      tpu.enqueue_dma source(%dma_start3A_64 : memref<632xf32, #tpu.memory_space<vmem_shared>>) target(%arg7 : memref<632xf32, #tpu.memory_space<vmem>>) target_semaphore(%run_scoped3A : memref<!tpu.dma_semaphore, #tpu.memory_space<semaphore_mem>>)
      %dma_wait3A = tpu.memref_slice %arg8[%mul3A_48] : memref<10112xf32, #tpu.memory_space<vmem_shared>> -> memref<632xf32, #tpu.memory_space<vmem_shared>>
      %dma_wait3A_65 = tpu.memref_slice %arg8[%mul3A_48] : memref<10112xf32, #tpu.memory_space<vmem_shared>> -> memref<632xf32, #tpu.memory_space<vmem_shared>>
      tpu.wait_dma2 semaphore(%run_scoped3A : memref<!tpu.dma_semaphore, #tpu.memory_space<semaphore_mem>>) src(%dma_wait3A_65 : memref<632xf32, #tpu.memory_space<vmem_shared>>) dst(%arg7 : memref<632xf32, #tpu.memory_space<vmem>>)
      tpu.yield
    }) : () -> ()
    %mul3A_61 = arith.constant 10112 : i32
    %mul3A_62 = arith.muli %arg0, %mul3A_61 : i32
    %add3A_63 = arith.addi %mul3A_62, %mul3A_48 : i32
    "tpu.region"() ({
      %run_scoped3A = tpu.sem_alloc : memref<!tpu.dma_semaphore, #tpu.memory_space<semaphore_mem>>
      %dma_start3A = tpu.memref_slice %arg4[%add3A_63] : memref<20224xf32, #tpu.memory_space<hbm>> -> memref<632xf32, #tpu.memory_space<hbm>>
      %dma_start3A_64 = tpu.memref_slice %arg4[%add3A_63] : memref<20224xf32, #tpu.memory_space<hbm>> -> memref<632xf32, #tpu.memory_space<hbm>>
      tpu.enqueue_dma source(%arg7 : memref<632xf32, #tpu.memory_space<vmem>>) target(%dma_start3A_64 : memref<632xf32, #tpu.memory_space<hbm>>) target_semaphore(%run_scoped3A : memref<!tpu.dma_semaphore, #tpu.memory_space<semaphore_mem>>)
      %dma_wait3A = tpu.memref_slice %arg4[%add3A_63] : memref<20224xf32, #tpu.memory_space<hbm>> -> memref<632xf32, #tpu.memory_space<hbm>>
      %dma_wait3A_65 = tpu.memref_slice %arg4[%add3A_63] : memref<20224xf32, #tpu.memory_space<hbm>> -> memref<632xf32, #tpu.memory_space<hbm>>
      tpu.wait_dma2 semaphore(%run_scoped3A : memref<!tpu.dma_semaphore, #tpu.memory_space<semaphore_mem>>) src(%arg7 : memref<632xf32, #tpu.memory_space<vmem>>) dst(%dma_wait3A_65 : memref<632xf32, #tpu.memory_space<hbm>>)
      tpu.yield
    }) : () -> ()
    return
  }
}

#map = affine_map<(d0, d1) -> (0, 0)>
#map1 = affine_map<(d0, d1) -> (0, 0, 0)>
module attributes {stable_mosaic.version = 14 : i64} {
  func.func @_sc_agg(%arg0: i32, %arg1: i32, %arg2: memref<10112x16xf32, #tpu.memory_space<hbm>>, %arg3: memref<32x80x128xi32, #tpu.memory_space<hbm>>, %arg4: memref<32x80x128xi32, #tpu.memory_space<hbm>>, %arg5: memref<10112x16xf32, #tpu.memory_space<hbm>>, %arg6: memref<20224x16xf32, #tpu.memory_space<hbm>>, %arg7: memref<80x128xi32, #tpu.memory_space<vmem>>, %arg8: memref<80x128xi32, #tpu.memory_space<vmem>>, %arg9: memref<12x128x16xf32, #tpu.memory_space<vmem>>, %arg10: memref<632x16xf32, #tpu.memory_space<vmem>>, %arg11: memref<10112x16xf32, #tpu.memory_space<vmem_shared>>, %arg12: memref<12x!tpu.dma_semaphore, #tpu.memory_space<semaphore_mem>>, %arg13: memref<12x!tpu.dma_semaphore, #tpu.memory_space<semaphore_mem>>) attributes {dimension_semantics = [#tpu.dimension_semantics<core_parallel>, #tpu.dimension_semantics<subcore_parallel>], iteration_bounds = array<i64: 2, 16>, scalar_prefetch = 0 : i64, scratch_operands = 7 : i64, tpu.core_type = #tpu.core_type<sc_vector_subcore>, window_params = [{transform_indices = #map}, {transform_indices = #map1}, {transform_indices = #map1}, {transform_indices = #map}, {transform_indices = #map}]} {
    %mul3A = arith.constant 2 : i32
    %mul3A_0 = arith.muli %arg1, %mul3A : i32
    %add3A = arith.addi %mul3A_0, %arg0 : i32
    "tpu.region"() ({
      %run_scoped3A = tpu.sem_alloc : memref<!tpu.dma_semaphore, #tpu.memory_space<semaphore_mem>>
      %dma_start3A_107 = arith.constant 0 : i32
      %dma_start3A_108 = arith.constant 0 : i32
      %dma_start3A_109 = tpu.memref_slice %arg3[%add3A, %dma_start3A_107, %dma_start3A_108] : memref<32x80x128xi32, #tpu.memory_space<hbm>> -> memref<1x80x128xi32, #tpu.memory_space<hbm>>
      %dma_start3A_110 = tpu.memref_squeeze %dma_start3A_109 : memref<1x80x128xi32, #tpu.memory_space<hbm>> -> memref<80x128xi32, #tpu.memory_space<hbm>>
      %dma_start3A_111 = arith.constant 0 : i32
      %dma_start3A_112 = arith.constant 0 : i32
      %dma_start3A_113 = tpu.memref_slice %arg3[%add3A, %dma_start3A_111, %dma_start3A_112] : memref<32x80x128xi32, #tpu.memory_space<hbm>> -> memref<1x80x128xi32, #tpu.memory_space<hbm>>
      %dma_start3A_114 = tpu.memref_squeeze %dma_start3A_113 : memref<1x80x128xi32, #tpu.memory_space<hbm>> -> memref<80x128xi32, #tpu.memory_space<hbm>>
      tpu.enqueue_dma source(%dma_start3A_114 : memref<80x128xi32, #tpu.memory_space<hbm>>) target(%arg7 : memref<80x128xi32, #tpu.memory_space<vmem>>) target_semaphore(%run_scoped3A : memref<!tpu.dma_semaphore, #tpu.memory_space<semaphore_mem>>)
      %dma_wait3A = arith.constant 0 : i32
      %dma_wait3A_115 = arith.constant 0 : i32
      %dma_wait3A_116 = tpu.memref_slice %arg3[%add3A, %dma_wait3A, %dma_wait3A_115] : memref<32x80x128xi32, #tpu.memory_space<hbm>> -> memref<1x80x128xi32, #tpu.memory_space<hbm>>
      %dma_wait3A_117 = tpu.memref_squeeze %dma_wait3A_116 : memref<1x80x128xi32, #tpu.memory_space<hbm>> -> memref<80x128xi32, #tpu.memory_space<hbm>>
      %dma_wait3A_118 = arith.constant 0 : i32
      %dma_wait3A_119 = arith.constant 0 : i32
      %dma_wait3A_120 = tpu.memref_slice %arg3[%add3A, %dma_wait3A_118, %dma_wait3A_119] : memref<32x80x128xi32, #tpu.memory_space<hbm>> -> memref<1x80x128xi32, #tpu.memory_space<hbm>>
      %dma_wait3A_121 = tpu.memref_squeeze %dma_wait3A_120 : memref<1x80x128xi32, #tpu.memory_space<hbm>> -> memref<80x128xi32, #tpu.memory_space<hbm>>
      tpu.wait_dma2 semaphore(%run_scoped3A : memref<!tpu.dma_semaphore, #tpu.memory_space<semaphore_mem>>) src(%dma_wait3A_121 : memref<80x128xi32, #tpu.memory_space<hbm>>) dst(%arg7 : memref<80x128xi32, #tpu.memory_space<vmem>>)
      tpu.yield
    }) : () -> ()
    "tpu.region"() ({
      %run_scoped3A = tpu.sem_alloc : memref<!tpu.dma_semaphore, #tpu.memory_space<semaphore_mem>>
      %dma_start3A_107 = arith.constant 0 : i32
      %dma_start3A_108 = arith.constant 0 : i32
      %dma_start3A_109 = tpu.memref_slice %arg4[%add3A, %dma_start3A_107, %dma_start3A_108] : memref<32x80x128xi32, #tpu.memory_space<hbm>> -> memref<1x80x128xi32, #tpu.memory_space<hbm>>
      %dma_start3A_110 = tpu.memref_squeeze %dma_start3A_109 : memref<1x80x128xi32, #tpu.memory_space<hbm>> -> memref<80x128xi32, #tpu.memory_space<hbm>>
      %dma_start3A_111 = arith.constant 0 : i32
      %dma_start3A_112 = arith.constant 0 : i32
      %dma_start3A_113 = tpu.memref_slice %arg4[%add3A, %dma_start3A_111, %dma_start3A_112] : memref<32x80x128xi32, #tpu.memory_space<hbm>> -> memref<1x80x128xi32, #tpu.memory_space<hbm>>
      %dma_start3A_114 = tpu.memref_squeeze %dma_start3A_113 : memref<1x80x128xi32, #tpu.memory_space<hbm>> -> memref<80x128xi32, #tpu.memory_space<hbm>>
      tpu.enqueue_dma source(%dma_start3A_114 : memref<80x128xi32, #tpu.memory_space<hbm>>) target(%arg8 : memref<80x128xi32, #tpu.memory_space<vmem>>) target_semaphore(%run_scoped3A : memref<!tpu.dma_semaphore, #tpu.memory_space<semaphore_mem>>)
      %dma_wait3A = arith.constant 0 : i32
      %dma_wait3A_115 = arith.constant 0 : i32
      %dma_wait3A_116 = tpu.memref_slice %arg4[%add3A, %dma_wait3A, %dma_wait3A_115] : memref<32x80x128xi32, #tpu.memory_space<hbm>> -> memref<1x80x128xi32, #tpu.memory_space<hbm>>
      %dma_wait3A_117 = tpu.memref_squeeze %dma_wait3A_116 : memref<1x80x128xi32, #tpu.memory_space<hbm>> -> memref<80x128xi32, #tpu.memory_space<hbm>>
      %dma_wait3A_118 = arith.constant 0 : i32
      %dma_wait3A_119 = arith.constant 0 : i32
      %dma_wait3A_120 = tpu.memref_slice %arg4[%add3A, %dma_wait3A_118, %dma_wait3A_119] : memref<32x80x128xi32, #tpu.memory_space<hbm>> -> memref<1x80x128xi32, #tpu.memory_space<hbm>>
      %dma_wait3A_121 = tpu.memref_squeeze %dma_wait3A_120 : memref<1x80x128xi32, #tpu.memory_space<hbm>> -> memref<80x128xi32, #tpu.memory_space<hbm>>
      tpu.wait_dma2 semaphore(%run_scoped3A : memref<!tpu.dma_semaphore, #tpu.memory_space<semaphore_mem>>) src(%dma_wait3A_121 : memref<80x128xi32, #tpu.memory_space<hbm>>) dst(%arg8 : memref<80x128xi32, #tpu.memory_space<vmem>>)
      tpu.yield
    }) : () -> ()
    %mul3A_1 = arith.constant 632 : i32
    %mul3A_2 = arith.muli %arg1, %mul3A_1 : i32
    "tpu.region"() ({
      %run_scoped3A = tpu.sem_alloc : memref<!tpu.dma_semaphore, #tpu.memory_space<semaphore_mem>>
      %dma_start3A_107 = arith.constant 0 : i32
      %dma_start3A_108 = tpu.memref_slice %arg5[%mul3A_2, %dma_start3A_107] : memref<10112x16xf32, #tpu.memory_space<hbm>> -> memref<632x16xf32, #tpu.memory_space<hbm>>
      %dma_start3A_109 = arith.constant 0 : i32
      %dma_start3A_110 = tpu.memref_slice %arg5[%mul3A_2, %dma_start3A_109] : memref<10112x16xf32, #tpu.memory_space<hbm>> -> memref<632x16xf32, #tpu.memory_space<hbm>>
      tpu.enqueue_dma source(%dma_start3A_110 : memref<632x16xf32, #tpu.memory_space<hbm>>) target(%arg10 : memref<632x16xf32, #tpu.memory_space<vmem>>) target_semaphore(%run_scoped3A : memref<!tpu.dma_semaphore, #tpu.memory_space<semaphore_mem>>)
      %dma_wait3A = arith.constant 0 : i32
      %dma_wait3A_111 = tpu.memref_slice %arg5[%mul3A_2, %dma_wait3A] : memref<10112x16xf32, #tpu.memory_space<hbm>> -> memref<632x16xf32, #tpu.memory_space<hbm>>
      %dma_wait3A_112 = arith.constant 0 : i32
      %dma_wait3A_113 = tpu.memref_slice %arg5[%mul3A_2, %dma_wait3A_112] : memref<10112x16xf32, #tpu.memory_space<hbm>> -> memref<632x16xf32, #tpu.memory_space<hbm>>
      tpu.wait_dma2 semaphore(%run_scoped3A : memref<!tpu.dma_semaphore, #tpu.memory_space<semaphore_mem>>) src(%dma_wait3A_113 : memref<632x16xf32, #tpu.memory_space<hbm>>) dst(%arg10 : memref<632x16xf32, #tpu.memory_space<vmem>>)
      tpu.yield
    }) : () -> ()
    "tpu.region"() ({
      %run_scoped3A = tpu.sem_alloc : memref<!tpu.dma_semaphore, #tpu.memory_space<semaphore_mem>>
      %dma_start3A_107 = arith.constant 0 : i32
      %dma_start3A_108 = tpu.memref_slice %arg11[%mul3A_2, %dma_start3A_107] : memref<10112x16xf32, #tpu.memory_space<vmem_shared>> -> memref<632x16xf32, #tpu.memory_space<vmem_shared>>
      %dma_start3A_109 = arith.constant 0 : i32
      %dma_start3A_110 = tpu.memref_slice %arg11[%mul3A_2, %dma_start3A_109] : memref<10112x16xf32, #tpu.memory_space<vmem_shared>> -> memref<632x16xf32, #tpu.memory_space<vmem_shared>>
      tpu.enqueue_dma source(%arg10 : memref<632x16xf32, #tpu.memory_space<vmem>>) target(%dma_start3A_110 : memref<632x16xf32, #tpu.memory_space<vmem_shared>>) target_semaphore(%run_scoped3A : memref<!tpu.dma_semaphore, #tpu.memory_space<semaphore_mem>>)
      %dma_wait3A = arith.constant 0 : i32
      %dma_wait3A_111 = tpu.memref_slice %arg11[%mul3A_2, %dma_wait3A] : memref<10112x16xf32, #tpu.memory_space<vmem_shared>> -> memref<632x16xf32, #tpu.memory_space<vmem_shared>>
      %dma_wait3A_112 = arith.constant 0 : i32
      %dma_wait3A_113 = tpu.memref_slice %arg11[%mul3A_2, %dma_wait3A_112] : memref<10112x16xf32, #tpu.memory_space<vmem_shared>> -> memref<632x16xf32, #tpu.memory_space<vmem_shared>>
      tpu.wait_dma2 semaphore(%run_scoped3A : memref<!tpu.dma_semaphore, #tpu.memory_space<semaphore_mem>>) src(%arg10 : memref<632x16xf32, #tpu.memory_space<vmem>>) dst(%dma_wait3A_113 : memref<632x16xf32, #tpu.memory_space<vmem_shared>>)
      tpu.yield
    }) : () -> ()
    %barrier3A = arith.constant 0 : index
    tpu.barrier barrier_id(%barrier3A)
    %dma_start3A = arith.constant 0 : i32
    %dma_start3A_3 = arith.constant 0 : i32
    %dma_start3A_4 = arith.constant 0 : i32
    %dma_start3A_5 = arith.constant 0 : i32
    %dma_start3A_6 = arith.constant 0 : i32
    %dma_start3A_7 = tpu.memref_slice %arg9[%dma_start3A_3, %dma_start3A_5, %dma_start3A_6] : memref<12x128x16xf32, #tpu.memory_space<vmem>> -> memref<1x128x16xf32, #tpu.memory_space<vmem>>
    %dma_start3A_8 = tpu.memref_squeeze %dma_start3A_7 : memref<1x128x16xf32, #tpu.memory_space<vmem>> -> memref<128x16xf32, #tpu.memory_space<vmem>>
    %dma_start3A_9 = arith.constant 0 : i32
    %dma_start3A_10 = tpu.memref_slice %arg7[%dma_start3A, %dma_start3A_9] : memref<80x128xi32, #tpu.memory_space<vmem>> -> memref<1x128xi32, #tpu.memory_space<vmem>>
    %dma_start3A_11 = tpu.memref_squeeze %dma_start3A_10 : memref<1x128xi32, #tpu.memory_space<vmem>> -> memref<128xi32, #tpu.memory_space<vmem>>
    %dma_start3A_12 = arith.constant 0 : i32
    %dma_start3A_13 = arith.constant 0 : i32
    %dma_start3A_14 = tpu.memref_slice %arg2[%dma_start3A_12, %dma_start3A_13] : memref<10112x16xf32, #tpu.memory_space<hbm>> -> memref<10112x16xf32, #tpu.memory_space<hbm>>
    %dma_start3A_15 = tpu.memref_slice %arg12[%dma_start3A_4] : memref<12x!tpu.dma_semaphore, #tpu.memory_space<semaphore_mem>> -> memref<1x!tpu.dma_semaphore, #tpu.memory_space<semaphore_mem>>
    %dma_start3A_16 = tpu.memref_squeeze %dma_start3A_15 : memref<1x!tpu.dma_semaphore, #tpu.memory_space<semaphore_mem>> -> memref<!tpu.dma_semaphore, #tpu.memory_space<semaphore_mem>>
    tpu.enqueue_indirect_dma source(%dma_start3A_14 : memref<10112x16xf32, #tpu.memory_space<hbm>>) target(%dma_start3A_8 : memref<128x16xf32, #tpu.memory_space<vmem>>) offsets(%dma_start3A_11 : memref<128xi32, #tpu.memory_space<vmem>>) semaphore(%dma_start3A_16 : memref<!tpu.dma_semaphore, #tpu.memory_space<semaphore_mem>>)
    %dma_start3A_17 = arith.constant 1 : i32
    %dma_start3A_18 = arith.constant 1 : i32
    %dma_start3A_19 = arith.constant 1 : i32
    %dma_start3A_20 = arith.constant 0 : i32
    %dma_start3A_21 = arith.constant 0 : i32
    %dma_start3A_22 = tpu.memref_slice %arg9[%dma_start3A_18, %dma_start3A_20, %dma_start3A_21] : memref<12x128x16xf32, #tpu.memory_space<vmem>> -> memref<1x128x16xf32, #tpu.memory_space<vmem>>
    %dma_start3A_23 = tpu.memref_squeeze %dma_start3A_22 : memref<1x128x16xf32, #tpu.memory_space<vmem>> -> memref<128x16xf32, #tpu.memory_space<vmem>>
    %dma_start3A_24 = arith.constant 0 : i32
    %dma_start3A_25 = tpu.memref_slice %arg7[%dma_start3A_17, %dma_start3A_24] : memref<80x128xi32, #tpu.memory_space<vmem>> -> memref<1x128xi32, #tpu.memory_space<vmem>>
    %dma_start3A_26 = tpu.memref_squeeze %dma_start3A_25 : memref<1x128xi32, #tpu.memory_space<vmem>> -> memref<128xi32, #tpu.memory_space<vmem>>
    %dma_start3A_27 = arith.constant 0 : i32
    %dma_start3A_28 = arith.constant 0 : i32
    %dma_start3A_29 = tpu.memref_slice %arg2[%dma_start3A_27, %dma_start3A_28] : memref<10112x16xf32, #tpu.memory_space<hbm>> -> memref<10112x16xf32, #tpu.memory_space<hbm>>
    %dma_start3A_30 = tpu.memref_slice %arg12[%dma_start3A_19] : memref<12x!tpu.dma_semaphore, #tpu.memory_space<semaphore_mem>> -> memref<1x!tpu.dma_semaphore, #tpu.memory_space<semaphore_mem>>
    %dma_start3A_31 = tpu.memref_squeeze %dma_start3A_30 : memref<1x!tpu.dma_semaphore, #tpu.memory_space<semaphore_mem>> -> memref<!tpu.dma_semaphore, #tpu.memory_space<semaphore_mem>>
    tpu.enqueue_indirect_dma source(%dma_start3A_29 : memref<10112x16xf32, #tpu.memory_space<hbm>>) target(%dma_start3A_23 : memref<128x16xf32, #tpu.memory_space<vmem>>) offsets(%dma_start3A_26 : memref<128xi32, #tpu.memory_space<vmem>>) semaphore(%dma_start3A_31 : memref<!tpu.dma_semaphore, #tpu.memory_space<semaphore_mem>>)
    %dma_start3A_32 = arith.constant 2 : i32
    %dma_start3A_33 = arith.constant 2 : i32
    %dma_start3A_34 = arith.constant 2 : i32
    %dma_start3A_35 = arith.constant 0 : i32
    %dma_start3A_36 = arith.constant 0 : i32
    %dma_start3A_37 = tpu.memref_slice %arg9[%dma_start3A_33, %dma_start3A_35, %dma_start3A_36] : memref<12x128x16xf32, #tpu.memory_space<vmem>> -> memref<1x128x16xf32, #tpu.memory_space<vmem>>
    %dma_start3A_38 = tpu.memref_squeeze %dma_start3A_37 : memref<1x128x16xf32, #tpu.memory_space<vmem>> -> memref<128x16xf32, #tpu.memory_space<vmem>>
    %dma_start3A_39 = arith.constant 0 : i32
    %dma_start3A_40 = tpu.memref_slice %arg7[%dma_start3A_32, %dma_start3A_39] : memref<80x128xi32, #tpu.memory_space<vmem>> -> memref<1x128xi32, #tpu.memory_space<vmem>>
    %dma_start3A_41 = tpu.memref_squeeze %dma_start3A_40 : memref<1x128xi32, #tpu.memory_space<vmem>> -> memref<128xi32, #tpu.memory_space<vmem>>
    %dma_start3A_42 = arith.constant 0 : i32
    %dma_start3A_43 = arith.constant 0 : i32
    %dma_start3A_44 = tpu.memref_slice %arg2[%dma_start3A_42, %dma_start3A_43] : memref<10112x16xf32, #tpu.memory_space<hbm>> -> memref<10112x16xf32, #tpu.memory_space<hbm>>
    %dma_start3A_45 = tpu.memref_slice %arg12[%dma_start3A_34] : memref<12x!tpu.dma_semaphore, #tpu.memory_space<semaphore_mem>> -> memref<1x!tpu.dma_semaphore, #tpu.memory_space<semaphore_mem>>
    %dma_start3A_46 = tpu.memref_squeeze %dma_start3A_45 : memref<1x!tpu.dma_semaphore, #tpu.memory_space<semaphore_mem>> -> memref<!tpu.dma_semaphore, #tpu.memory_space<semaphore_mem>>
    tpu.enqueue_indirect_dma source(%dma_start3A_44 : memref<10112x16xf32, #tpu.memory_space<hbm>>) target(%dma_start3A_38 : memref<128x16xf32, #tpu.memory_space<vmem>>) offsets(%dma_start3A_41 : memref<128xi32, #tpu.memory_space<vmem>>) semaphore(%dma_start3A_46 : memref<!tpu.dma_semaphore, #tpu.memory_space<semaphore_mem>>)
    %dma_start3A_47 = arith.constant 3 : i32
    %dma_start3A_48 = arith.constant 3 : i32
    %dma_start3A_49 = arith.constant 3 : i32
    %dma_start3A_50 = arith.constant 0 : i32
    %dma_start3A_51 = arith.constant 0 : i32
    %dma_start3A_52 = tpu.memref_slice %arg9[%dma_start3A_48, %dma_start3A_50, %dma_start3A_51] : memref<12x128x16xf32, #tpu.memory_space<vmem>> -> memref<1x128x16xf32, #tpu.memory_space<vmem>>
    %dma_start3A_53 = tpu.memref_squeeze %dma_start3A_52 : memref<1x128x16xf32, #tpu.memory_space<vmem>> -> memref<128x16xf32, #tpu.memory_space<vmem>>
    %dma_start3A_54 = arith.constant 0 : i32
    %dma_start3A_55 = tpu.memref_slice %arg7[%dma_start3A_47, %dma_start3A_54] : memref<80x128xi32, #tpu.memory_space<vmem>> -> memref<1x128xi32, #tpu.memory_space<vmem>>
    %dma_start3A_56 = tpu.memref_squeeze %dma_start3A_55 : memref<1x128xi32, #tpu.memory_space<vmem>> -> memref<128xi32, #tpu.memory_space<vmem>>
    %dma_start3A_57 = arith.constant 0 : i32
    %dma_start3A_58 = arith.constant 0 : i32
    %dma_start3A_59 = tpu.memref_slice %arg2[%dma_start3A_57, %dma_start3A_58] : memref<10112x16xf32, #tpu.memory_space<hbm>> -> memref<10112x16xf32, #tpu.memory_space<hbm>>
    %dma_start3A_60 = tpu.memref_slice %arg12[%dma_start3A_49] : memref<12x!tpu.dma_semaphore, #tpu.memory_space<semaphore_mem>> -> memref<1x!tpu.dma_semaphore, #tpu.memory_space<semaphore_mem>>
    %dma_start3A_61 = tpu.memref_squeeze %dma_start3A_60 : memref<1x!tpu.dma_semaphore, #tpu.memory_space<semaphore_mem>> -> memref<!tpu.dma_semaphore, #tpu.memory_space<semaphore_mem>>
    tpu.enqueue_indirect_dma source(%dma_start3A_59 : memref<10112x16xf32, #tpu.memory_space<hbm>>) target(%dma_start3A_53 : memref<128x16xf32, #tpu.memory_space<vmem>>) offsets(%dma_start3A_56 : memref<128xi32, #tpu.memory_space<vmem>>) semaphore(%dma_start3A_61 : memref<!tpu.dma_semaphore, #tpu.memory_space<semaphore_mem>>)
    %dma_start3A_62 = arith.constant 4 : i32
    %dma_start3A_63 = arith.constant 4 : i32
    %dma_start3A_64 = arith.constant 4 : i32
    %dma_start3A_65 = arith.constant 0 : i32
    %dma_start3A_66 = arith.constant 0 : i32
    %dma_start3A_67 = tpu.memref_slice %arg9[%dma_start3A_63, %dma_start3A_65, %dma_start3A_66] : memref<12x128x16xf32, #tpu.memory_space<vmem>> -> memref<1x128x16xf32, #tpu.memory_space<vmem>>
    %dma_start3A_68 = tpu.memref_squeeze %dma_start3A_67 : memref<1x128x16xf32, #tpu.memory_space<vmem>> -> memref<128x16xf32, #tpu.memory_space<vmem>>
    %dma_start3A_69 = arith.constant 0 : i32
    %dma_start3A_70 = tpu.memref_slice %arg7[%dma_start3A_62, %dma_start3A_69] : memref<80x128xi32, #tpu.memory_space<vmem>> -> memref<1x128xi32, #tpu.memory_space<vmem>>
    %dma_start3A_71 = tpu.memref_squeeze %dma_start3A_70 : memref<1x128xi32, #tpu.memory_space<vmem>> -> memref<128xi32, #tpu.memory_space<vmem>>
    %dma_start3A_72 = arith.constant 0 : i32
    %dma_start3A_73 = arith.constant 0 : i32
    %dma_start3A_74 = tpu.memref_slice %arg2[%dma_start3A_72, %dma_start3A_73] : memref<10112x16xf32, #tpu.memory_space<hbm>> -> memref<10112x16xf32, #tpu.memory_space<hbm>>
    %dma_start3A_75 = tpu.memref_slice %arg12[%dma_start3A_64] : memref<12x!tpu.dma_semaphore, #tpu.memory_space<semaphore_mem>> -> memref<1x!tpu.dma_semaphore, #tpu.memory_space<semaphore_mem>>
    %dma_start3A_76 = tpu.memref_squeeze %dma_start3A_75 : memref<1x!tpu.dma_semaphore, #tpu.memory_space<semaphore_mem>> -> memref<!tpu.dma_semaphore, #tpu.memory_space<semaphore_mem>>
    tpu.enqueue_indirect_dma source(%dma_start3A_74 : memref<10112x16xf32, #tpu.memory_space<hbm>>) target(%dma_start3A_68 : memref<128x16xf32, #tpu.memory_space<vmem>>) offsets(%dma_start3A_71 : memref<128xi32, #tpu.memory_space<vmem>>) semaphore(%dma_start3A_76 : memref<!tpu.dma_semaphore, #tpu.memory_space<semaphore_mem>>)
    %dma_start3A_77 = arith.constant 5 : i32
    %dma_start3A_78 = arith.constant 5 : i32
    %dma_start3A_79 = arith.constant 5 : i32
    %dma_start3A_80 = arith.constant 0 : i32
    %dma_start3A_81 = arith.constant 0 : i32
    %dma_start3A_82 = tpu.memref_slice %arg9[%dma_start3A_78, %dma_start3A_80, %dma_start3A_81] : memref<12x128x16xf32, #tpu.memory_space<vmem>> -> memref<1x128x16xf32, #tpu.memory_space<vmem>>
    %dma_start3A_83 = tpu.memref_squeeze %dma_start3A_82 : memref<1x128x16xf32, #tpu.memory_space<vmem>> -> memref<128x16xf32, #tpu.memory_space<vmem>>
    %dma_start3A_84 = arith.constant 0 : i32
    %dma_start3A_85 = tpu.memref_slice %arg7[%dma_start3A_77, %dma_start3A_84] : memref<80x128xi32, #tpu.memory_space<vmem>> -> memref<1x128xi32, #tpu.memory_space<vmem>>
    %dma_start3A_86 = tpu.memref_squeeze %dma_start3A_85 : memref<1x128xi32, #tpu.memory_space<vmem>> -> memref<128xi32, #tpu.memory_space<vmem>>
    %dma_start3A_87 = arith.constant 0 : i32
    %dma_start3A_88 = arith.constant 0 : i32
    %dma_start3A_89 = tpu.memref_slice %arg2[%dma_start3A_87, %dma_start3A_88] : memref<10112x16xf32, #tpu.memory_space<hbm>> -> memref<10112x16xf32, #tpu.memory_space<hbm>>
    %dma_start3A_90 = tpu.memref_slice %arg12[%dma_start3A_79] : memref<12x!tpu.dma_semaphore, #tpu.memory_space<semaphore_mem>> -> memref<1x!tpu.dma_semaphore, #tpu.memory_space<semaphore_mem>>
    %dma_start3A_91 = tpu.memref_squeeze %dma_start3A_90 : memref<1x!tpu.dma_semaphore, #tpu.memory_space<semaphore_mem>> -> memref<!tpu.dma_semaphore, #tpu.memory_space<semaphore_mem>>
    tpu.enqueue_indirect_dma source(%dma_start3A_89 : memref<10112x16xf32, #tpu.memory_space<hbm>>) target(%dma_start3A_83 : memref<128x16xf32, #tpu.memory_space<vmem>>) offsets(%dma_start3A_86 : memref<128xi32, #tpu.memory_space<vmem>>) semaphore(%dma_start3A_91 : memref<!tpu.dma_semaphore, #tpu.memory_space<semaphore_mem>>)
    %scan3A = arith.constant 0 : i32
    %scan3A_92 = arith.constant 0 : i32
    %scan3A_93 = arith.constant 80 : i32
    %scan3A_94 = arith.addi %scan3A_92, %scan3A_93 : i32
    %scan3A_95 = arith.constant 1 : i32
    scf.for %scan3A_107 = %scan3A_92 to %scan3A_94 step %scan3A_95  : i32 {
      %rem3A = arith.constant 12 : i32
      %rem3A_108 = arith.remsi %scan3A_107, %rem3A : i32
      %dma_wait3A = arith.constant 0 : i32
      %dma_wait3A_109 = arith.constant 0 : i32
      %dma_wait3A_110 = tpu.memref_slice %arg9[%rem3A_108, %dma_wait3A, %dma_wait3A_109] : memref<12x128x16xf32, #tpu.memory_space<vmem>> -> memref<1x128x16xf32, #tpu.memory_space<vmem>>
      %dma_wait3A_111 = tpu.memref_squeeze %dma_wait3A_110 : memref<1x128x16xf32, #tpu.memory_space<vmem>> -> memref<128x16xf32, #tpu.memory_space<vmem>>
      %dma_wait3A_112 = arith.constant 0 : i32
      %dma_wait3A_113 = tpu.memref_slice %arg7[%scan3A_107, %dma_wait3A_112] : memref<80x128xi32, #tpu.memory_space<vmem>> -> memref<1x128xi32, #tpu.memory_space<vmem>>
      %dma_wait3A_114 = tpu.memref_squeeze %dma_wait3A_113 : memref<1x128xi32, #tpu.memory_space<vmem>> -> memref<128xi32, #tpu.memory_space<vmem>>
      %dma_wait3A_115 = arith.constant 0 : i32
      %dma_wait3A_116 = arith.constant 0 : i32
      %dma_wait3A_117 = tpu.memref_slice %arg2[%dma_wait3A_115, %dma_wait3A_116] : memref<10112x16xf32, #tpu.memory_space<hbm>> -> memref<10112x16xf32, #tpu.memory_space<hbm>>
      %dma_wait3A_118 = tpu.memref_slice %arg12[%rem3A_108] : memref<12x!tpu.dma_semaphore, #tpu.memory_space<semaphore_mem>> -> memref<1x!tpu.dma_semaphore, #tpu.memory_space<semaphore_mem>>
      %dma_wait3A_119 = tpu.memref_squeeze %dma_wait3A_118 : memref<1x!tpu.dma_semaphore, #tpu.memory_space<semaphore_mem>> -> memref<!tpu.dma_semaphore, #tpu.memory_space<semaphore_mem>>
      tpu.wait_indirect_dma semaphore(%dma_wait3A_119 : memref<!tpu.dma_semaphore, #tpu.memory_space<semaphore_mem>>) src(%dma_wait3A_117 : memref<10112x16xf32, #tpu.memory_space<hbm>>) dst(%dma_wait3A_111 : memref<128x16xf32, #tpu.memory_space<vmem>>)
      %dma_start3A_120 = arith.constant 0 : i32
      %dma_start3A_121 = arith.constant 0 : i32
      %dma_start3A_122 = tpu.memref_slice %arg9[%rem3A_108, %dma_start3A_120, %dma_start3A_121] : memref<12x128x16xf32, #tpu.memory_space<vmem>> -> memref<1x128x16xf32, #tpu.memory_space<vmem>>
      %dma_start3A_123 = tpu.memref_squeeze %dma_start3A_122 : memref<1x128x16xf32, #tpu.memory_space<vmem>> -> memref<128x16xf32, #tpu.memory_space<vmem>>
      %dma_start3A_124 = arith.constant 0 : i32
      %dma_start3A_125 = tpu.memref_slice %arg8[%scan3A_107, %dma_start3A_124] : memref<80x128xi32, #tpu.memory_space<vmem>> -> memref<1x128xi32, #tpu.memory_space<vmem>>
      %dma_start3A_126 = tpu.memref_squeeze %dma_start3A_125 : memref<1x128xi32, #tpu.memory_space<vmem>> -> memref<128xi32, #tpu.memory_space<vmem>>
      %dma_start3A_127 = arith.constant 0 : i32
      %dma_start3A_128 = arith.constant 0 : i32
      %dma_start3A_129 = tpu.memref_slice %arg11[%dma_start3A_127, %dma_start3A_128] : memref<10112x16xf32, #tpu.memory_space<vmem_shared>> -> memref<10112x16xf32, #tpu.memory_space<vmem_shared>>
      %dma_start3A_130 = tpu.memref_slice %arg13[%rem3A_108] : memref<12x!tpu.dma_semaphore, #tpu.memory_space<semaphore_mem>> -> memref<1x!tpu.dma_semaphore, #tpu.memory_space<semaphore_mem>>
      %dma_start3A_131 = tpu.memref_squeeze %dma_start3A_130 : memref<1x!tpu.dma_semaphore, #tpu.memory_space<semaphore_mem>> -> memref<!tpu.dma_semaphore, #tpu.memory_space<semaphore_mem>>
      tpu.enqueue_indirect_dma source(%dma_start3A_123 : memref<128x16xf32, #tpu.memory_space<vmem>>) target(%dma_start3A_129 : memref<10112x16xf32, #tpu.memory_space<vmem_shared>>) offsets(%dma_start3A_126 : memref<128xi32, #tpu.memory_space<vmem>>) semaphore(%dma_start3A_131 : memref<!tpu.dma_semaphore, #tpu.memory_space<semaphore_mem>>) {add = true}
      %ge3A = arith.constant 6 : i32
      %ge3A_132 = arith.cmpi sge, %scan3A_107, %ge3A : i32
      %convert_element_type3A = arith.extui %ge3A_132 : i1 to i32
      %cond3A = arith.constant 0 : i32
      %cond3A_133 = arith.cmpi ne, %convert_element_type3A, %cond3A : i32
      scf.if %cond3A_133 {
        %sub3A = arith.constant 6 : i32
        %sub3A_140 = arith.subi %scan3A_107, %sub3A : i32
        %rem3A_141 = arith.constant 12 : i32
        %rem3A_142 = arith.remsi %sub3A_140, %rem3A_141 : i32
        %sub3A_143 = arith.constant 6 : i32
        %sub3A_144 = arith.subi %scan3A_107, %sub3A_143 : i32
        %dma_wait3A_145 = arith.constant 0 : i32
        %dma_wait3A_146 = arith.constant 0 : i32
        %dma_wait3A_147 = tpu.memref_slice %arg9[%rem3A_142, %dma_wait3A_145, %dma_wait3A_146] : memref<12x128x16xf32, #tpu.memory_space<vmem>> -> memref<1x128x16xf32, #tpu.memory_space<vmem>>
        %dma_wait3A_148 = tpu.memref_squeeze %dma_wait3A_147 : memref<1x128x16xf32, #tpu.memory_space<vmem>> -> memref<128x16xf32, #tpu.memory_space<vmem>>
        %dma_wait3A_149 = arith.constant 0 : i32
        %dma_wait3A_150 = tpu.memref_slice %arg8[%sub3A_144, %dma_wait3A_149] : memref<80x128xi32, #tpu.memory_space<vmem>> -> memref<1x128xi32, #tpu.memory_space<vmem>>
        %dma_wait3A_151 = tpu.memref_squeeze %dma_wait3A_150 : memref<1x128xi32, #tpu.memory_space<vmem>> -> memref<128xi32, #tpu.memory_space<vmem>>
        %dma_wait3A_152 = arith.constant 0 : i32
        %dma_wait3A_153 = arith.constant 0 : i32
        %dma_wait3A_154 = tpu.memref_slice %arg11[%dma_wait3A_152, %dma_wait3A_153] : memref<10112x16xf32, #tpu.memory_space<vmem_shared>> -> memref<10112x16xf32, #tpu.memory_space<vmem_shared>>
        %dma_wait3A_155 = tpu.memref_slice %arg13[%rem3A_142] : memref<12x!tpu.dma_semaphore, #tpu.memory_space<semaphore_mem>> -> memref<1x!tpu.dma_semaphore, #tpu.memory_space<semaphore_mem>>
        %dma_wait3A_156 = tpu.memref_squeeze %dma_wait3A_155 : memref<1x!tpu.dma_semaphore, #tpu.memory_space<semaphore_mem>> -> memref<!tpu.dma_semaphore, #tpu.memory_space<semaphore_mem>>
        tpu.wait_indirect_dma semaphore(%dma_wait3A_156 : memref<!tpu.dma_semaphore, #tpu.memory_space<semaphore_mem>>) src(%dma_wait3A_148 : memref<128x16xf32, #tpu.memory_space<vmem>>) dst(%dma_wait3A_154 : memref<10112x16xf32, #tpu.memory_space<vmem_shared>>)
      } else {
      }
      %add3A_134 = arith.constant 6 : i32
      %add3A_135 = arith.addi %scan3A_107, %add3A_134 : i32
      %lt3A = arith.constant 80 : i32
      %lt3A_136 = arith.cmpi slt, %add3A_135, %lt3A : i32
      %convert_element_type3A_137 = arith.extui %lt3A_136 : i1 to i32
      %cond3A_138 = arith.constant 0 : i32
      %cond3A_139 = arith.cmpi ne, %convert_element_type3A_137, %cond3A_138 : i32
      scf.if %cond3A_139 {
        %add3A_140 = arith.constant 6 : i32
        %add3A_141 = arith.addi %scan3A_107, %add3A_140 : i32
        %rem3A_142 = arith.constant 12 : i32
        %rem3A_143 = arith.remsi %add3A_141, %rem3A_142 : i32
        %add3A_144 = arith.constant 6 : i32
        %add3A_145 = arith.addi %scan3A_107, %add3A_144 : i32
        %dma_start3A_146 = arith.constant 0 : i32
        %dma_start3A_147 = arith.constant 0 : i32
        %dma_start3A_148 = tpu.memref_slice %arg9[%rem3A_143, %dma_start3A_146, %dma_start3A_147] : memref<12x128x16xf32, #tpu.memory_space<vmem>> -> memref<1x128x16xf32, #tpu.memory_space<vmem>>
        %dma_start3A_149 = tpu.memref_squeeze %dma_start3A_148 : memref<1x128x16xf32, #tpu.memory_space<vmem>> -> memref<128x16xf32, #tpu.memory_space<vmem>>
        %dma_start3A_150 = arith.constant 0 : i32
        %dma_start3A_151 = tpu.memref_slice %arg7[%add3A_145, %dma_start3A_150] : memref<80x128xi32, #tpu.memory_space<vmem>> -> memref<1x128xi32, #tpu.memory_space<vmem>>
        %dma_start3A_152 = tpu.memref_squeeze %dma_start3A_151 : memref<1x128xi32, #tpu.memory_space<vmem>> -> memref<128xi32, #tpu.memory_space<vmem>>
        %dma_start3A_153 = arith.constant 0 : i32
        %dma_start3A_154 = arith.constant 0 : i32
        %dma_start3A_155 = tpu.memref_slice %arg2[%dma_start3A_153, %dma_start3A_154] : memref<10112x16xf32, #tpu.memory_space<hbm>> -> memref<10112x16xf32, #tpu.memory_space<hbm>>
        %dma_start3A_156 = tpu.memref_slice %arg12[%rem3A_143] : memref<12x!tpu.dma_semaphore, #tpu.memory_space<semaphore_mem>> -> memref<1x!tpu.dma_semaphore, #tpu.memory_space<semaphore_mem>>
        %dma_start3A_157 = tpu.memref_squeeze %dma_start3A_156 : memref<1x!tpu.dma_semaphore, #tpu.memory_space<semaphore_mem>> -> memref<!tpu.dma_semaphore, #tpu.memory_space<semaphore_mem>>
        tpu.enqueue_indirect_dma source(%dma_start3A_155 : memref<10112x16xf32, #tpu.memory_space<hbm>>) target(%dma_start3A_149 : memref<128x16xf32, #tpu.memory_space<vmem>>) offsets(%dma_start3A_152 : memref<128xi32, #tpu.memory_space<vmem>>) semaphore(%dma_start3A_157 : memref<!tpu.dma_semaphore, #tpu.memory_space<semaphore_mem>>)
      } else {
      }
    }
    %scan3A_96 = arith.constant 80 : i32
    %scan3A_97 = arith.constant 0 : i32
    %scan3A_98 = arith.constant 74 : i32
    %scan3A_99 = arith.constant 6 : i32
    %scan3A_100 = arith.addi %scan3A_98, %scan3A_99 : i32
    %scan3A_101 = arith.constant 1 : i32
    scf.for %scan3A_107 = %scan3A_98 to %scan3A_100 step %scan3A_101  : i32 {
      %rem3A = arith.constant 12 : i32
      %rem3A_108 = arith.remsi %scan3A_107, %rem3A : i32
      %dma_wait3A = arith.constant 0 : i32
      %dma_wait3A_109 = arith.constant 0 : i32
      %dma_wait3A_110 = tpu.memref_slice %arg9[%rem3A_108, %dma_wait3A, %dma_wait3A_109] : memref<12x128x16xf32, #tpu.memory_space<vmem>> -> memref<1x128x16xf32, #tpu.memory_space<vmem>>
      %dma_wait3A_111 = tpu.memref_squeeze %dma_wait3A_110 : memref<1x128x16xf32, #tpu.memory_space<vmem>> -> memref<128x16xf32, #tpu.memory_space<vmem>>
      %dma_wait3A_112 = arith.constant 0 : i32
      %dma_wait3A_113 = tpu.memref_slice %arg8[%scan3A_107, %dma_wait3A_112] : memref<80x128xi32, #tpu.memory_space<vmem>> -> memref<1x128xi32, #tpu.memory_space<vmem>>
      %dma_wait3A_114 = tpu.memref_squeeze %dma_wait3A_113 : memref<1x128xi32, #tpu.memory_space<vmem>> -> memref<128xi32, #tpu.memory_space<vmem>>
      %dma_wait3A_115 = arith.constant 0 : i32
      %dma_wait3A_116 = arith.constant 0 : i32
      %dma_wait3A_117 = tpu.memref_slice %arg11[%dma_wait3A_115, %dma_wait3A_116] : memref<10112x16xf32, #tpu.memory_space<vmem_shared>> -> memref<10112x16xf32, #tpu.memory_space<vmem_shared>>
      %dma_wait3A_118 = tpu.memref_slice %arg13[%rem3A_108] : memref<12x!tpu.dma_semaphore, #tpu.memory_space<semaphore_mem>> -> memref<1x!tpu.dma_semaphore, #tpu.memory_space<semaphore_mem>>
      %dma_wait3A_119 = tpu.memref_squeeze %dma_wait3A_118 : memref<1x!tpu.dma_semaphore, #tpu.memory_space<semaphore_mem>> -> memref<!tpu.dma_semaphore, #tpu.memory_space<semaphore_mem>>
      tpu.wait_indirect_dma semaphore(%dma_wait3A_119 : memref<!tpu.dma_semaphore, #tpu.memory_space<semaphore_mem>>) src(%dma_wait3A_111 : memref<128x16xf32, #tpu.memory_space<vmem>>) dst(%dma_wait3A_117 : memref<10112x16xf32, #tpu.memory_space<vmem_shared>>)
    }
    %scan3A_102 = arith.constant 6 : i32
    %barrier3A_103 = arith.constant 0 : index
    tpu.barrier barrier_id(%barrier3A_103)
    "tpu.region"() ({
      %run_scoped3A = tpu.sem_alloc : memref<!tpu.dma_semaphore, #tpu.memory_space<semaphore_mem>>
      %dma_start3A_107 = arith.constant 0 : i32
      %dma_start3A_108 = tpu.memref_slice %arg11[%mul3A_2, %dma_start3A_107] : memref<10112x16xf32, #tpu.memory_space<vmem_shared>> -> memref<632x16xf32, #tpu.memory_space<vmem_shared>>
      %dma_start3A_109 = arith.constant 0 : i32
      %dma_start3A_110 = tpu.memref_slice %arg11[%mul3A_2, %dma_start3A_109] : memref<10112x16xf32, #tpu.memory_space<vmem_shared>> -> memref<632x16xf32, #tpu.memory_space<vmem_shared>>
      tpu.enqueue_dma source(%dma_start3A_110 : memref<632x16xf32, #tpu.memory_space<vmem_shared>>) target(%arg10 : memref<632x16xf32, #tpu.memory_space<vmem>>) target_semaphore(%run_scoped3A : memref<!tpu.dma_semaphore, #tpu.memory_space<semaphore_mem>>)
      %dma_wait3A = arith.constant 0 : i32
      %dma_wait3A_111 = tpu.memref_slice %arg11[%mul3A_2, %dma_wait3A] : memref<10112x16xf32, #tpu.memory_space<vmem_shared>> -> memref<632x16xf32, #tpu.memory_space<vmem_shared>>
      %dma_wait3A_112 = arith.constant 0 : i32
      %dma_wait3A_113 = tpu.memref_slice %arg11[%mul3A_2, %dma_wait3A_112] : memref<10112x16xf32, #tpu.memory_space<vmem_shared>> -> memref<632x16xf32, #tpu.memory_space<vmem_shared>>
      tpu.wait_dma2 semaphore(%run_scoped3A : memref<!tpu.dma_semaphore, #tpu.memory_space<semaphore_mem>>) src(%dma_wait3A_113 : memref<632x16xf32, #tpu.memory_space<vmem_shared>>) dst(%arg10 : memref<632x16xf32, #tpu.memory_space<vmem>>)
      tpu.yield
    }) : () -> ()
    %mul3A_104 = arith.constant 10112 : i32
    %mul3A_105 = arith.muli %arg0, %mul3A_104 : i32
    %add3A_106 = arith.addi %mul3A_105, %mul3A_2 : i32
    "tpu.region"() ({
      %run_scoped3A = tpu.sem_alloc : memref<!tpu.dma_semaphore, #tpu.memory_space<semaphore_mem>>
      %dma_start3A_107 = arith.constant 0 : i32
      %dma_start3A_108 = tpu.memref_slice %arg6[%add3A_106, %dma_start3A_107] : memref<20224x16xf32, #tpu.memory_space<hbm>> -> memref<632x16xf32, #tpu.memory_space<hbm>>
      %dma_start3A_109 = arith.constant 0 : i32
      %dma_start3A_110 = tpu.memref_slice %arg6[%add3A_106, %dma_start3A_109] : memref<20224x16xf32, #tpu.memory_space<hbm>> -> memref<632x16xf32, #tpu.memory_space<hbm>>
      tpu.enqueue_dma source(%arg10 : memref<632x16xf32, #tpu.memory_space<vmem>>) target(%dma_start3A_110 : memref<632x16xf32, #tpu.memory_space<hbm>>) target_semaphore(%run_scoped3A : memref<!tpu.dma_semaphore, #tpu.memory_space<semaphore_mem>>)
      %dma_wait3A = arith.constant 0 : i32
      %dma_wait3A_111 = tpu.memref_slice %arg6[%add3A_106, %dma_wait3A] : memref<20224x16xf32, #tpu.memory_space<hbm>> -> memref<632x16xf32, #tpu.memory_space<hbm>>
      %dma_wait3A_112 = arith.constant 0 : i32
      %dma_wait3A_113 = tpu.memref_slice %arg6[%add3A_106, %dma_wait3A_112] : memref<20224x16xf32, #tpu.memory_space<hbm>> -> memref<632x16xf32, #tpu.memory_space<hbm>>
      tpu.wait_dma2 semaphore(%run_scoped3A : memref<!tpu.dma_semaphore, #tpu.memory_space<semaphore_mem>>) src(%arg10 : memref<632x16xf32, #tpu.memory_space<vmem>>) dst(%dma_wait3A_113 : memref<632x16xf32, #tpu.memory_space<hbm>>)
      tpu.yield
    }) : () -> ()
    return
  }
}

module attributes {stable_mosaic.version = 14 : i64} {
  func.func @body(%arg0: memref<10112x128xf32, #tpu.memory_space<vmem>>, %arg1: memref<128x16xf32, #tpu.memory_space<vmem>>, %arg2: memref<10112x2xf32, #tpu.memory_space<vmem>>, %arg3: memref<10112x16xf32, #tpu.memory_space<vmem>>, %arg4: memref<10112x16xf32, #tpu.memory_space<vmem>>) attributes {dimension_semantics = [], scalar_prefetch = 0 : i64, scratch_operands = 0 : i64, tpu.core_type = #tpu.core_type<tc>} {
    %get3A = arith.constant 0 : index
    %get3A_0 = arith.constant 0 : index
    %get3A_1 = vector.load %arg2[%get3A, %get3A_0] : memref<10112x2xf32, #tpu.memory_space<vmem>>, vector<10112x2xf32>
    %slice3A = vector.extract_strided_slice %get3A_1 {offsets = [0, 0], sizes = [10112, 1], strides = [1, 1]} : vector<10112x2xf32> to vector<10112x1xf32>
    %slice3A_2 = vector.extract_strided_slice %get3A_1 {offsets = [0, 1], sizes = [10112, 1], strides = [1, 1]} : vector<10112x2xf32> to vector<10112x1xf32>
    %add3A = arith.addf %slice3A, %slice3A_2 : vector<10112x1xf32>
    %add3A_3 = arith.constant 1.000000e+00 : f32
    %add3A_4 = vector.broadcast %add3A_3 : f32 to vector<10112x1xf32>
    %add3A_5 = arith.addf %add3A, %add3A_4 : vector<10112x1xf32>
    %rsqrt3A = math.rsqrt %add3A_5 : vector<10112x1xf32>
    %get3A_6 = arith.constant 0 : index
    %get3A_7 = arith.constant 0 : index
    %get3A_8 = vector.load %arg0[%get3A_6, %get3A_7] : memref<10112x128xf32, #tpu.memory_space<vmem>>, vector<10112x128xf32>
    %get3A_9 = arith.constant 0 : index
    %get3A_10 = arith.constant 0 : index
    %get3A_11 = vector.load %arg1[%get3A_9, %get3A_10] : memref<128x16xf32, #tpu.memory_space<vmem>>, vector<128x16xf32>
    %dot_general3A = arith.constant dense<0.000000e+00> : vector<10112x16xf32>
    %dot_general3A_12 = tpu.matmul %get3A_8, %get3A_11, %dot_general3A {dimension_numbers = #tpu.dot_dimension_numbers<[1], [0], [0], [1], [0, 0, 1, 1], [], []>, transpose_lhs_hint = false} : vector<10112x128xf32>, vector<128x16xf32>, vector<10112x16xf32> -> vector<10112x16xf32>
    %mul3A = vector.broadcast %rsqrt3A : vector<10112x1xf32> to vector<10112x16xf32>
    %mul3A_13 = arith.mulf %dot_general3A_12, %mul3A : vector<10112x16xf32>
    %swap3A = arith.constant 0 : index
    %swap3A_14 = arith.constant 0 : index
    %swap3A_15 = vector.load %arg3[%swap3A, %swap3A_14] : memref<10112x16xf32, #tpu.memory_space<vmem>>, vector<10112x16xf32>
    tpu.vector_store %arg3[%swap3A, %swap3A_14], %mul3A_13 {strides = array<i32>} : memref<10112x16xf32, #tpu.memory_space<vmem>>, vector<10112x16xf32>,
    %broadcast_in_dim3A = vector.shape_cast %rsqrt3A : vector<10112x1xf32> to vector<10112x1xf32>
    %broadcast_in_dim3A_16 = vector.broadcast %broadcast_in_dim3A : vector<10112x1xf32> to vector<10112x16xf32>
    %swap3A_17 = arith.constant 0 : index
    %swap3A_18 = arith.constant 0 : index
    %swap3A_19 = vector.load %arg4[%swap3A_17, %swap3A_18] : memref<10112x16xf32, #tpu.memory_space<vmem>>, vector<10112x16xf32>
    tpu.vector_store %arg4[%swap3A_17, %swap3A_18], %broadcast_in_dim3A_16 {strides = array<i32>} : memref<10112x16xf32, #tpu.memory_space<vmem>>, vector<10112x16xf32>,
    return
  }
}

module attributes {stable_mosaic.version = 14 : i64} {
  func.func @body(%arg0: memref<2x10112x16xf32, #tpu.memory_space<vmem>>, %arg1: memref<10112x16xf32, #tpu.memory_space<vmem>>, %arg2: memref<10112x16xf32, #tpu.memory_space<vmem>>, %arg3: memref<16x128xf32, #tpu.memory_space<vmem>>, %arg4: memref<1x128xf32, #tpu.memory_space<vmem>>, %arg5: memref<10112x128xf32, #tpu.memory_space<vmem>>) attributes {dimension_semantics = [], scalar_prefetch = 0 : i64, scratch_operands = 0 : i64, tpu.core_type = #tpu.core_type<tc>} {
    %get3A = arith.constant 0 : index
    %get3A_0 = arith.constant 0 : index
    %get3A_1 = vector.load %arg2[%get3A, %get3A_0] : memref<10112x16xf32, #tpu.memory_space<vmem>>, vector<10112x16xf32>
    %get3A_2 = arith.constant 0 : index
    %get3A_3 = arith.constant 0 : index
    %get3A_4 = arith.constant 0 : index
    %get3A_5 = vector.load %arg0[%get3A_2, %get3A_3, %get3A_4] : memref<2x10112x16xf32, #tpu.memory_space<vmem>>, vector<1x10112x16xf32>
    %get3A_6 = vector.shape_cast %get3A_5 : vector<1x10112x16xf32> to vector<10112x16xf32>
    %get3A_7 = arith.constant 1 : index
    %get3A_8 = arith.constant 0 : index
    %get3A_9 = arith.constant 0 : index
    %get3A_10 = vector.load %arg0[%get3A_7, %get3A_8, %get3A_9] : memref<2x10112x16xf32, #tpu.memory_space<vmem>>, vector<1x10112x16xf32>
    %get3A_11 = vector.shape_cast %get3A_10 : vector<1x10112x16xf32> to vector<10112x16xf32>
    %add3A = arith.addf %get3A_6, %get3A_11 : vector<10112x16xf32>
    %get3A_12 = arith.constant 0 : index
    %get3A_13 = arith.constant 0 : index
    %get3A_14 = vector.load %arg1[%get3A_12, %get3A_13] : memref<10112x16xf32, #tpu.memory_space<vmem>>, vector<10112x16xf32>
    %add3A_15 = arith.addf %add3A, %get3A_14 : vector<10112x16xf32>
    %mul3A = arith.mulf %get3A_1, %add3A_15 : vector<10112x16xf32>
    %get3A_16 = arith.constant 0 : index
    %get3A_17 = arith.constant 0 : index
    %get3A_18 = vector.load %arg3[%get3A_16, %get3A_17] : memref<16x128xf32, #tpu.memory_space<vmem>>, vector<16x128xf32>
    %dot_general3A = arith.constant dense<0.000000e+00> : vector<10112x128xf32>
    %dot_general3A_19 = tpu.matmul %mul3A, %get3A_18, %dot_general3A {dimension_numbers = #tpu.dot_dimension_numbers<[1], [0], [0], [1], [0, 0, 1, 1], [], []>, transpose_lhs_hint = false} : vector<10112x16xf32>, vector<16x128xf32>, vector<10112x128xf32> -> vector<10112x128xf32>
    %get3A_20 = arith.constant 0 : index
    %get3A_21 = arith.constant 0 : index
    %get3A_22 = vector.load %arg4[%get3A_20, %get3A_21] : memref<1x128xf32, #tpu.memory_space<vmem>>, vector<1x128xf32>
    %add3A_23 = vector.broadcast %get3A_22 : vector<1x128xf32> to vector<10112x128xf32>
    %add3A_24 = arith.addf %dot_general3A_19, %add3A_23 : vector<10112x128xf32>
    %swap3A = arith.constant 0 : index
    %swap3A_25 = arith.constant 0 : index
    %swap3A_26 = vector.load %arg5[%swap3A, %swap3A_25] : memref<10112x128xf32, #tpu.memory_space<vmem>>, vector<10112x128xf32>
    tpu.vector_store %arg5[%swap3A, %swap3A_25], %add3A_24 {strides = array<i32>} : memref<10112x128xf32, #tpu.memory_space<vmem>>, vector<10112x128xf32>,
    return
  }
}

</mosaic_0001>

<sc_bundles>
// kernel: kernel.10.cloned.1.call-start
scs
__scs_entry_jumppad:
0x0: {  	(pc) =	sbr.rel $0x88, $3  }
0x1: {  	(tag) =	ssettag $0x0;
	lr =	simm.s32 $0x1  }
0x2: {  	[smem:$0x3F9B] =	sst lr;
	_ =	strace $0xD0000000  }
0x3: {  	_ = 	snop  }
0x4: {  	_ = 	snop  }
0x5: {  	_ = 	snop  }
0x6: {  	_ = 	snop  }
0x7: {  	_ = 	snop  }
__scs_overlays_trampoline_lowered:
0x8: {  	[smem:$0x3FAA] =	sst s0  }
0x9: {  	[smem:$0x3FAB] =	sst s1  }
0xa: {  	[smem:$0x3FAC] =	sst s2  }
0xb: {  	[smem:$0x3FAD] =	sst s3  }
0xc: {  	[smem:$0x3FAE] =	sst s4  }
0xd: {  	[smem:$0x3FAF] =	sst s5  }
0xe: {  	[smem:$0x3FB0] =	sst s6  }
0xf: {  	[smem:$0x3FB1] =	sst s7  }
0x10: {  	[smem:$0x3FB2] =	sst s8  }
0x11: {  	[smem:$0x3FB3] =	sst s9;
	s0 =	simm.s32 @!p0 $0x0  }
0x12: {  	s1 =	sld [smem:$0x3F99];
	s0 =	simm.s32 @p0 $0x1  }
0x13: {  	[smem:$0x3FB4] =	sst s0;
	s0 =	simm.s32 @!p1 $0x0  }
0x14: {  	s2 =	sld [smem:$0x3F98];
	s0 =	simm.s32 @p1 $0x1  }
0x15: {  	[smem:$0x3FB5] =	sst s0;
	s0 =	simm.s32 @!p2 $0x0  }
0x16: {  	s3 =	sld [smem:$0x3FDB];
	s0 =	simm.s32 @p2 $0x1  }
0x17: {  	s4 =	simm.s32 $0x1BF5;
	[smem:$0x3FB7] =	sst s0  }
0x18: {  	s0 =	sld [smem:$0x3F9A];
	_ =	swait.ge [sflag:s4], $0x0  }
0x19: {  	s7 =	sld [smem:$0x3F9B]  }
0x1a: {  	s8 =	sadd.s32 $0xFFFFE003, lr  }
0x1b: {  	s9 =	sadd.s32 $0xFFFFFEF7, lr;
	s5 =	simm.s32 $0xFFFFFFFF;
	p2 =	slt.u32 s8, $0xFFFFF086  }
0x1c: {  	p1 =	slt.u32 s9, $0xF7A;
	s5 =	simm.s32 @!p2 $0x0  }
0x1d: {  	s5 =	simm.s32 @p1 $0x1;
	p0 =	seq.s32 s7, s2  }
0x1e: {  	s7 =	smul.u32 @!p0 $0xF7A, s2;
	p2 =	seq.s32 @!p0 s5, $0x0  }
0x1f: {  	s9 =	smul.u32 $0xF7A, s1;
	s8 =	simm.s32 @!p0 $0x1BF5;
	p2 =	por !p2, p0  }
0x20: {  	[sflag:s8] =	ssyncset.s32 @!p0 $0xFFFFF086;
	s6 =	sadd.s32 @!p0 s3, s7;
	s7 =	simm.s32 @!p0 $0x108  }
0x21: {  	s3 =	sadd.s32 s3, s9;
	s6 =	sadd.s32 @!p0 $0x88, s6;
	s7 =	simm.s32 @p2 $0x1082  }
0x22: {  	[simem:s7], [sflag:s8] =	dma.local @!p0 [hbm:s6], $0xF7A  }
0x23: {  	s9 =	sor.u32 $0xD0000000, s2;
	s6 =	simm.s32 $0x108;
	_ =	swait.ge @!p0 [sflag:s8], $0x0  }
0x24: {  	s3 =	sadd.s32 $0x88, s3;
	s6 =	simm.s32 @!p1 $0x1082;
	[sflag:s4] =	ssyncset.s32 $0xFFFFF086  }
0x25: {  	[simem:s6], [sflag:s4] =	dma.local [hbm:s3], $0xF7A  }
0x26: {  	[smem:$0x3F9B] =	sst s1;
	(tag) =	ssettag s2;
	_ =	strace s9  }
0x27: {  	s1 =	sld [smem:$0x3FAB]  }
0x28: {  	s2 =	sld [smem:$0x3FAC]  }
0x29: {  	s4 =	sld [smem:$0x3FAE]  }
0x2a: {  	p0 =	seq.s32 s5, $0x0;
	s5 =	sld [smem:$0x3FAF]  }
0x2b: {  	s6 =	sld [smem:$0x3FB0]  }
0x2c: {  	s7 =	sld [smem:$0x3FB1]  }
0x2d: {  	s3 =	simm.s32 $0x108;
	s8 =	sld [smem:$0x3FB2]  }
0x2e: {  	s3 =	simm.s32 @!p0 $0x1082;
	s9 =	sld [smem:$0x3FB3]  }
0x2f: {  	lr =	sadd.s32 s0, s3;
	s0 =	sld [smem:$0x3FAA]  }
0x30: {  	s3 =	sld [smem:$0x3FAD]  }
0x31: {  	[smem:$0x3FB6] =	sst s10  }
0x32: {  	s10 =	sld [smem:$0x3FB4];
	_ =	sdelay $0x3  }
0x33: {  	p0 =	seq.s32 s10, $0x1;
	s10 =	sld [smem:$0x3FB6];
	_ =	sdelay $0x3  }
0x34: {  	[smem:$0x3FB6] =	sst s10  }
0x35: {  	s10 =	sld [smem:$0x3FB5];
	_ =	sdelay $0x3  }
0x36: {  	p1 =	seq.s32 s10, $0x1;
	s10 =	sld [smem:$0x3FB6];
	_ =	sdelay $0x3  }
0x37: {  	[smem:$0x3FB6] =	sst s10  }
0x38: {  	s10 =	sld [smem:$0x3FB7]  }
0x39: {  	_ = 	snop;
	(pc) =	sbr.ind lr, $3  }
0x3a: {  	_ = 	snop  }
0x3b: {  	_ = 	snop  }
0x3c: {  	p2 =	seq.s32 s10, $0x1;
	s10 =	sld [smem:$0x3FB6]  }
0x3d: {  	_ =	shalt  }
0x3e: {  	_ =	shalt  }
0x3f: {  	_ =	shalt  }
0x40: {  	_ =	shalt  }
0x41: {  	_ =	shalt  }
0x42: {  	_ =	shalt  }
0x43: {  	_ =	shalt  }
0x44: {  	_ =	shalt  }
0x45: {  	_ =	shalt  }
0x46: {  	_ =	shalt  }
0x47: {  	_ =	shalt  }
0x48: {  	_ =	shalt  }
0x49: {  	_ =	shalt  }
0x4a: {  	_ =	shalt  }
0x4b: {  	_ =	shalt  }
0x4c: {  	_ =	shalt  }
0x4d: {  	_ =	shalt  }
0x4e: {  	_ =	shalt  }
0x4f: {  	_ =	shalt  }
0x50: {  	_ =	shalt  }
0x51: {  	_ =	shalt  }
0x52: {  	_ =	shalt  }
0x53: {  	_ =	shalt  }
0x54: {  	_ =	shalt  }
0x55: {  	_ =	shalt  }
0x56: {  	_ =	shalt  }
0x57: {  	_ =	shalt  }
0x58: {  	_ =	shalt  }
0x59: {  	_ =	shalt  }
0x5a: {  	_ =	shalt  }
0x5b: {  	_ =	shalt  }
0x5c: {  	_ =	shalt  }
0x5d: {  	_ =	shalt  }
0x5e: {  	_ =	shalt  }
0x5f: {  	_ =	shalt  }
0x60: {  	_ =	shalt  }
0x61: {  	_ =	shalt  }
0x62: {  	_ =	shalt  }
0x63: {  	_ =	shalt  }
0x64: {  	_ =	shalt  }
0x65: {  	_ =	shalt  }
0x66: {  	_ =	shalt  }
0x67: {  	_ =	shalt  }
0x68: {  	_ =	shalt  }
0x69: {  	_ =	shalt  }
0x6a: {  	_ =	shalt  }
0x6b: {  	_ =	shalt  }
0x6c: {  	_ =	shalt  }
0x6d: {  	_ =	shalt  }
0x6e: {  	_ =	shalt  }
0x6f: {  	_ =	shalt  }
0x70: {  	_ =	shalt  }
0x71: {  	_ =	shalt  }
0x72: {  	_ =	shalt  }
0x73: {  	_ =	shalt  }
0x74: {  	_ =	shalt  }
0x75: {  	_ =	shalt  }
0x76: {  	_ =	shalt  }
0x77: {  	_ =	shalt  }
0x78: {  	_ =	shalt  }
0x79: {  	_ =	shalt  }
0x7a: {  	_ =	shalt  }
0x7b: {  	_ =	shalt  }
0x7c: {  	_ =	shalt  }
0x7d: {  	_ =	shalt  }
0x7e: {  	_ =	shalt  }
0x7f: {  	_ =	shalt  }
0x80: {  	_ =	shalt  }
0x81: {  	_ =	shalt  }
0x82: {  	_ =	shalt  }
0x83: {  	_ =	shalt  }
0x84: {  	_ =	shalt  }
0x85: {  	_ =	shalt  }
0x86: {  	_ =	shalt  }
0x87: {  	_ =	shalt  }
.Lfunc_end0:
.L_simem_size_0:
called_computation.1_lowered:
.L_overlay_start_0:
0x88: {  	s2 =	sld [smem:$0x3FD9]  }
0x89: {  	s3 =	sld [smem:$0x3FFE];
	_ =	sdelay $0x1  }
0x8a: {  	s1 =	srdreg.scid  }
0x8b: {  	s0 =	sand.u32 $0x1, s1  }
0x8c: {  	s17 =	sshll.u32 s0, $0xA;
	s2 =	sadd.s32 s3, s2  }
0x8d: {  	s2 =	sadd.s32 s2, s17  }
0x8e: {  	[smem:$0x3FC2] =	sst s2  }
0x8f: {  	_ = 	snop  }
0x90: {  	s2 =	sld [smem:$0x3FD0];
	(tm) =	ssettm $0x1  }
0x91: {  	s18 =	sld [smem:$0x3FFB];
	_ =	sdelay $0x3  }
0x92: {  	_ =	strace s18  }
0x93: {  	s3 =	sld [smem:$0x3FFC];
	_ =	sdelay $0x3  }
0x94: {  	_ =	strace s3  }
0x95: {  	s3 =	sld [smem:$0x3FFD];
	_ =	sdelay $0x3  }
0x96: {  	_ =	strace s3  }
0x97: {  	_ =	strace $0x8FFFFFFF  }
0x98: {  	s19 =	sld [smem:$0x3FDB];
	_ =	sdelay $0x1  }
0x99: {  	s4 =	simm.s32 $_scs_section_size  }
0x9a: {  	s5 =	simm.s32 $_size__tile_overlayer_lowered;
	s6 =	simm.s32 $_tile_overlayer_lowered  }
0x9b: {  	s22 =	simm.s32 $0x1BFF;
	s21 =	sshll.u32 s6, $0x1;
	s3 =	sadd.s32 s4, s19  }
0x9c: {  	s7 =	simm.s32 $0x0;
	s20 =	sshll.u32 s5, $0x1;
	s5 =	sadd.s32 s21, s3  }
0x9d: {  	[timem:s7], [sflag:s22] =	dma.local [hbm:s5], s20  }
0x9e: {  	_ =	swait.ge [sflag:s22], s20  }
0x9f: {  	s4 =	ssub.s32 $0x0, s20;
	[sflag:s22] =	ssyncset.done $0x0  }
0xa0: {  	[sflag:s22] =	ssyncadd.s32 s4;
	_ =	sdelay $0x1  }
0xa1: {  	s23 =	simm.s32 $0x1B8B  }
0xa2: {  	_ =	swait.ge [sflag:s23], $0x1  }
0xa3: {  	[sflag:s23] =	ssyncset.done $0x0  }
0xa4: {  	s25 =	simm.s32 $0x1B8E;
	s24 =	sld [smem:$0x3FFE];
	[sflag:s23] =	ssyncadd.s32 $0xFFFFFFFF  }
0xa5: {  	s26 =	simm.s32 $execute0_lowered;
	[smem:$0x3FD2] =	sst s25  }
0xa6: {  	s5 =	sshll.u32 s26, $0x1;
	_ =	strace $0x80000049;
	[dreg:$0x1] =	wrdreg $0xFFFFFFFF  }
0xa7: {  	s28 =	simm.s32 $_size_execute0_lowered;
	s3 =	sadd.s32 s3, s5;
	[dreg:$0x0] =	wrdreg $0x0  }
0xa8: {  	s5 =	sshll.u32 s28, $0x1;
	[dreg:$0x2] =	wrdreg s3  }
0xa9: {  	[dreg:$0x3] =	wrdreg s5  }
0xaa: {  	[dreg:$0x4] =	wrdreg $0xC0  }
0xab: {  	_ =	task [dreg:s7], $0x5FFFF  }
0xac: {  	[dreg:$0x1] =	wrdreg $0xFFFFFFFF  }
0xad: {  	[dreg:$0x0] =	wrdreg $0x60  }
0xae: {  	[dreg:$0x2] =	wrdreg s24  }
0xaf: {  	[dreg:$0x3] =	wrdreg s2  }
0xb0: {  	[dreg:$0x4] =	wrdreg $0xD7800  }
0xb1: {  	[dreg:$0x5] =	wrdreg $0x9  }
0xb2: {  	_ =	task.clear_ibuf [dreg:s7], $0x6FFFF;
	_ =	strace $0x90000049  }
0xb3: {  	s29 =	simm.s32 $0x9;
	_ =	strace $0x8000004B  }
0xb4: {  	_ =	swait.ge [sflag:s29], $0x1  }
0xb5: {  	[sflag:s29] =	ssyncadd.s32 $0xFFFFFFFF  }
0xb6: {  	_ =	strace $0x9000004B  }
0xb7: {  	_ =	sfence  }
0xb8: {  	s30 =	sld [smem:$0x0];
	_ =	sdelay $0x2  }
0xb9: {  	s31 =	sshll.u32 s1, $0xD;
	s1 =	sshrl.u32 s1, $0x2  }
0xba: {  	s3 =	sand.u32 $0x4000, s31;
	s1 =	sadd.s32 s1, s30  }
0xbb: {  	s0 =	sor.u32 s3, s0;
	s1 =	sshll.u32 s1, $0x11  }
0xbc: {  	s0 =	sor.u32 s1, s0  }
0xbd: {  	s0 =	sadd.s32 $0x8F2B, s0  }
0xbe: {  	[sflag:s0] =	ssyncadd.remote.s32 $0x1  }
0xbf: {  	_ =	sfence.sel $0xFFFF  }
0xc0: {  	[dreg:$0x0] =	wrdreg $0xFFFFFFFF;
	(pc) =	sbr.abs _section_cstart, $3  }
0xc1: {  	[dreg:$0x1] =	wrdreg $0xFFFFFFFF  }
0xc2: {  	_ =	task.clear_ibuf [dreg:s7], $0x2FFFF;
	_ =	strace $0x9FFFFFFF  }
0xc3: {  	(tm) =	ssettm $0x7FFFFFFF  }
tec
execute0_lowered:
.L_overlay_start_1:
0x0: {  	(tag) =	ssettag $0x1  }
0x1: {  	s5 =	rddreg [dreg:$0x0]  }
0x2: {  	s0 =	srdreg.scid;
	s6 =	rddreg [dreg:$0x1]  }
0x3: {  	s4 =	stileid.u32;
	s2 =	rddreg [dreg:$0x2];
	s3 =	simm.s32 $0x0  }
0x4: {  	s12 =	simm.s32 $0xB000;
	s13 =	simm.s32 $0x80;
	s19 =	simm.s32 $0x6800  }
0x5: {  	s20 =	simm.s32 $0x200;
	s21 =	simm.s32 $0x7000;
	s22 =	simm.s32 $0x280  }
0x6: {  	s23 =	simm.s32 $0x7800;
	s28 =	simm.s32 $0x12;
	s29 =	simm.s32 $0x13  }
0x7: {  	s30 =	simm.s32 $0x14;
	s31 =	simm.s32 $0x0;
	s8 =	smul.u32 $0x2780, s4  }
0x8: {  	s0 =	sand.u32 $0x1, s0;
	s1 =	sshll.u32 s4, $0x1;
	s7 =	smul.u32 $0x4F0, s4  }
0x9: {  	[smem:$0x7FF] =	sst s3;
	s4 =	sadd.s32 $0xD000, s5;
	s1 =	sor.u32 s0, s1  }
0xa: {  	s9 =	smul.u32 $0x4F00, s0;
	_ =	strace $0x8000004A;
	s0 =	ssub.s32 $0x2, s0  }
0xb: {  	s1 =	smul.u32 $0x500, s1;
	s11 =	sshrl.u32 s8, $0x3;
	s26 =	sshrl.u32 s0, $0x1  }
0xc: {  	s8 =	sadd.s32 s8, s2;
	s7 =	sadd.s32 s7, s9;
	s24 =	sadd.s32 s11, s5  }
0xd: {  	s0 =	ssub.s32 s0, s26;
	s11 =	simm.s32 $0x19;
	s26 =	simm.s32 $0x11  }
0xe: {  	s10 =	sadd.s32 s1, s5;
	s25 =	sadd.s32 s7, s5;
	s6 =	sadd.s32 s6, s1  }
0xf: {  	s7 =	sadd.s32 $0x12000, s24;
	s24 =	simm.s32 $0xF;
	s5 =	sadd.s32 $0x3000, s10  }
0x10: {  	s9 =	sadd.s32 $0x17000, s25;
	s10 =	smax.u32 s0, $0x1;
	s25 =	simm.s32 $0x10  }
.LBB2_1:
0x11: {  	[tilespmem:s3], [sflag:$0x19] =	stream.linear.gather [hbm4b:s5+s3], $0x2800, $0x38;
	[tilespmem:$0xFF00] =	vst v63  }
0x12: {  	_ =	swait.ge [sflag:s11], $0x2800  }
0x13: {  	[sflag:s11] =	ssyncset.done $0x0  }
0x14: {  	s1 =	simm.s32 $0x2800;
	[sflag:s11] =	ssyncadd.s32 $0xFFFFD800  }
0x15: {  	[tilespmem:s1], [sflag:$0x19] =	stream.linear.gather [hbm4b:s6+s3], $0x2800, $0x38;
	[tilespmem:$0xFF00] =	vst v63  }
0x16: {  	_ =	swait.ge [sflag:s11], $0x2800  }
0x17: {  	[sflag:s11] =	ssyncset.done $0x0  }
0x18: {  	[sflag:s11] =	ssyncadd.s32 $0xFFFFD800  }
0x19: {  	[tilespmem:s12], [sflag:$0x19] =	stream.linear.gather [hbm4b:s7+s3], $0x2780, $0x38;
	[tilespmem:$0xFF00] =	vst v63  }
0x1a: {  	_ =	swait.ge [sflag:s11], $0x2780  }
0x1b: {  	[sflag:s11] =	ssyncset.done $0x0  }
0x1c: {  	[sflag:s11] =	ssyncadd.s32 $0xFFFFD880  }
0x1d: {  	[spmem:s8] =	stream.linear.scatter [tilespmem:s12], [sflag:$0x19], $0x2780, $0x38;
	[tilespmem:$0xFF00] =	vst v63  }
0x1e: {  	_ =	swait.ge [sflag:s11], $0x2780  }
0x1f: {  	[sflag:s11] =	ssyncset.done $0x0  }
0x20: {  	[sflag:s11] =	ssyncadd.s32 $0xFFFFD880  }
0x21: {  	s0 =	simm.s32 $0x5000;
	[bflag:$0x0] =	sbarrier.arrive $0xFFFF  }
0x22: {  	[tilespmem:s0], [sflag:$0x1] =	stream.indirect.gather [hbm4b:s4+s13], $0x10, s3, s13, $0xb8;
	[tilespmem:$0xFF00] =	vst v63  }
0x23: {  	s16 =	simm.s32 $0x5800  }
0x24: {  	[tilespmem:s16], [sflag:$0x2] =	stream.indirect.gather [hbm4b:s4+s13], $0x10, s13, s13, $0xb8;
	[tilespmem:$0xFF00] =	vst v63  }
0x25: {  	s17 =	simm.s32 $0x100;
	s14 =	simm.s32 $0x6000  }
0x26: {  	[tilespmem:s14], [sflag:$0x3] =	stream.indirect.gather [hbm4b:s4+s13], $0x10, s17, s13, $0xb8;
	[tilespmem:$0xFF00] =	vst v63  }
0x27: {  	s18 =	simm.s32 $0x180  }
0x28: {  	[tilespmem:s19], [sflag:$0x4] =	stream.indirect.gather [hbm4b:s4+s13], $0x10, s18, s13, $0xb8;
	[tilespmem:$0xFF00] =	vst v63  }
0x29: {  	_ = 	snop  }
0x2a: {  	[tilespmem:s21], [sflag:$0x5] =	stream.indirect.gather [hbm4b:s4+s13], $0x10, s20, s13, $0xb8;
	[tilespmem:$0xFF00] =	vst v63  }
0x2b: {  	s0 =	simm.s32 $0x300;
	s14 =	simm.s32 $0x0  }
0x2c: {  	[tilespmem:s23], [sflag:$0x6] =	stream.indirect.gather [hbm4b:s4+s13], $0x10, s22, s13, $0xb8;
	[tilespmem:$0xFF00] =	vst v63  }
.LBB2_2:
0x2d: {  	s15 =	smul.u32 $0xAB, s14;
	_ =	sdelay $0x1  }
0x2e: {  	s15 =	sshrl.u32 s15, $0xB  }
0x2f: {  	s15 =	sand.u32 $0x1F, s15  }
0x30: {  	s15 =	smul.u32 $0xC, s15;
	_ =	sdelay $0x1  }
0x31: {  	p0 =	slt.u32 s14, $0x6;
	s15 =	ssub.s32 s14, s15  }
0x32: {  	s16 =	sadd.s32 @!p0 $0xFFFFFFFA, s14;
	s15 =	sand.u32 $0xFF, s15  }
0x33: {  	s18 =	sand.u32 @!p0 $0xFF, s16;
	s17 =	sadd.s32 $0x1, s15  }
0x34: {  	s18 =	smul.u32 @!p0 $0xAB, s18;
	_ =	swait.ge [sflag:s17], $0x800  }
0x35: {  	[sflag:s17] =	ssyncset.done $0x0  }
0x36: {  	s18 =	sshrl.u32 @!p0 s18, $0xB;
	[sflag:s17] =	ssyncadd.s32 $0xFFFFF800;
	s17 =	sshll.u32 s15, $0xB  }
0x37: {  	s18 =	smul.u32 @!p0 $0xC, s18;
	s15 =	sadd.s32 $0xD, s15;
	s17 =	sadd.s32 $0x5000, s17  }
0x38: {  	[spmem:s2] =	stream.indirect.scatter.add.f32 [tilespmem:s17], [sflag:s15], $0x10, s1, s13, $0xb8;
	[tilespmem:$0xFF00] =	vst v63  }
0x39: {  	s15 =	ssub.s32 @!p0 s16, s18  }
0x3a: {  	s15 =	sand.u32 @!p0 $0xFF, s15  }
0x3b: {  	s15 =	sadd.s32 @!p0 $0xD, s15  }
0x3c: {  	p1 =	sgt.u32 @!p0 s14, $0x49;
	_ =	swait.ge @!p0 [sflag:s15], $0x800  }
0x3d: {  	p1 =	por p0, !p1;
	[sflag:s15] =	ssyncset.done @!p0 $0x0  }
0x3e: {  	[sflag:s15] =	ssyncadd.s32 @!p0 $0xFFFFF800;
	s15 =	sadd.s32 @p1 $0x6, s14  }
0x3f: {  	s16 =	smul.u32 @p1 $0xAB, s15;
	_ =	sdelay $0x1  }
0x40: {  	s16 =	sshrl.u32 @p1 s16, $0xB  }
0x41: {  	s16 =	sand.u32 @p1 $0x1F, s16  }
0x42: {  	s16 =	smul.u32 @p1 $0xC, s16  }
0x43: {  	s14 =	sadd.s32 $0x1, s14  }
0x44: {  	p0 =	sne.s32 s14, $0x50;
	s15 =	ssub.s32 @p1 s15, s16  }
.Ltmp0:
0x45: {  	s15 =	sand.u32 @p1 $0xFF, s15;
	(pc) =	sbr.rel @p0 .LBB2_2-.Ltmp0, $4  }
0x46: {  	s16 =	sshll.u32 @p1 s15, $0xB  }
0x47: {  	s15 =	sadd.s32 @p1 $0x1, s15;
	s16 =	sadd.s32 @p1 $0x5000, s16  }
0x48: {  	[tilespmem:s16], [sflag:s15] =	stream.indirect.gather @p1 [hbm4b:s4+s13], $0x10, s0, s13, $0xb8;
	[tilespmem:$0xFF00] =	vst v63  }
0x49: {  	s1 =	sadd.s32 $0x80, s1;
	s0 =	sadd.s32 $0x80, s0  }
0x4a: {  	_ =	swait.ge [sflag:s24], $0x800  }
0x4b: {  	[sflag:s24] =	ssyncset.done $0x0  }
0x4c: {  	[sflag:s24] =	ssyncadd.s32 $0xFFFFF800  }
0x4d: {  	_ =	swait.ge [sflag:s25], $0x800  }
0x4e: {  	[sflag:s25] =	ssyncset.done $0x0  }
0x4f: {  	[sflag:s25] =	ssyncadd.s32 $0xFFFFF800  }
0x50: {  	_ =	swait.ge [sflag:s26], $0x800  }
0x51: {  	[sflag:s26] =	ssyncset.done $0x0  }
0x52: {  	[sflag:s26] =	ssyncadd.s32 $0xFFFFF800  }
0x53: {  	_ =	swait.ge [sflag:s28], $0x800  }
0x54: {  	[sflag:s28] =	ssyncset.done $0x0  }
0x55: {  	[sflag:s28] =	ssyncadd.s32 $0xFFFFF800  }
0x56: {  	_ =	swait.ge [sflag:s29], $0x800  }
0x57: {  	[sflag:s29] =	ssyncset.done $0x0  }
0x58: {  	[sflag:s29] =	ssyncadd.s32 $0xFFFFF800  }
0x59: {  	_ =	swait.ge [sflag:s30], $0x800  }
0x5a: {  	[sflag:s30] =	ssyncset.done $0x0  }
0x5b: {  	[sflag:s30] =	ssyncadd.s32 $0xFFFFF800  }
0x5c: {  	[bflag:$0x0] =	sbarrier.arrive $0xFFFF  }
0x5d: {  	[tilespmem:s12], [sflag:$0x19] =	stream.linear.gather [spmem:s8], $0x2780, $0x38;
	[tilespmem:$0xFF00] =	vst v63  }
0x5e: {  	s31 =	sadd.s32 $0x1, s31;
	_ =	swait.ge [sflag:s11], $0x2780  }
0x5f: {  	p0 =	sne.s32 s31, s10;
	[sflag:s11] =	ssyncset.done $0x0  }
.Ltmp1:
0x60: {  	[sflag:s11] =	ssyncadd.s32 $0xFFFFD880;
	(pc) =	sbr.rel @p0 .LBB2_1-.Ltmp1, $4  }
0x61: {  	[hbm4b:s9+s3] =	stream.linear.scatter [tilespmem:s12], [sflag:$0x19], $0x2780, $0x38;
	[tilespmem:$0xFF00] =	vst v63  }
0x62: {  	_ =	swait.ge [sflag:s11], $0x2780  }
0x63: {  	[sflag:s11] =	ssyncset.done $0x0  }
0x64: {  	[sflag:s11] =	ssyncadd.s32 $0xFFFFD880  }
0x65: {  	_ =	sfence.sel $0x180000  }
0x66: {  	[bflag:$0x0] =	sbarrier.arrive $0xFFFF  }
0x67: {  	_ =	strace $0x9000004A  }
0x68: {  	s0 =	stileid.u32;
	[bflag:$0x2] =	sbarrier.arrive $0xFFFF  }
0x69: {  	p0 =	sne.s32 s0, $0x0;
	s0 =	rddreg [dreg:$0x3]  }
0x6a: {  	s0 =	sadd.s32 @!p0 $0x100000, s0  }
0x6b: {  	[sflag:s0] =	ssyncadd.tile.s32 @!p0 $0x1;
	_ =	shalt  }
.Lfunc_end2:
_tile_overlayer_lowered:
.L_overlay_start_2:
0x6c: {  	(tag) =	ssettag $0x2  }
0x6d: {  	s0 =	rddreg [dreg:$0x0];
	s2 =	stileid.u32  }
0x6e: {  	s1 =	rddreg [dreg:$0x1];
	p0 =	sne.s32 s2, $0x0  }
0x6f: {  	s3 =	rddreg [dreg:$0x2];
	[bflag:$0x3] =	sbarrier.arrive $0xFFFF;
	s2 =	simm.s32 @!p0 $0x1C19  }
0x70: {  	[timem:s3], [sflag:s2] =	dma.local @!p0 [hbm:s0], s1  }
0x71: {  	s0 =	simm.s32 @!p0 $0x19  }
0x72: {  	_ =	swait.ge @!p0 [sflag:s0], s1  }
0x73: {  	s1 =	ssub.s32 @!p0 $0x0, s1;
	[sflag:s0] =	ssyncset.done @!p0 $0x0  }
0x74: {  	[sflag:s0] =	ssyncadd.s32 @!p0 s1  }
0x75: {  	[bflag:$0x3] =	sbarrier.arrive $0xFFFF  }
0x76: {  	_ =	shalt  }

// kernel: kernel.13.cloned.1.call-start
scs
__scs_entry_jumppad:
0x0: {  	(pc) =	sbr.rel $0x88, $3  }
0x1: {  	(tag) =	ssettag $0x0;
	lr =	simm.s32 $0x1  }
0x2: {  	[smem:$0x3F9B] =	sst lr;
	_ =	strace $0xD0000000  }
0x3: {  	_ = 	snop  }
0x4: {  	_ = 	snop  }
0x5: {  	_ = 	snop  }
0x6: {  	_ = 	snop  }
0x7: {  	_ = 	snop  }
__scs_overlays_trampoline_lowered:
0x8: {  	[smem:$0x3FAA] =	sst s0  }
0x9: {  	[smem:$0x3FAB] =	sst s1  }
0xa: {  	[smem:$0x3FAC] =	sst s2  }
0xb: {  	[smem:$0x3FAD] =	sst s3  }
0xc: {  	[smem:$0x3FAE] =	sst s4  }
0xd: {  	[smem:$0x3FAF] =	sst s5  }
0xe: {  	[smem:$0x3FB0] =	sst s6  }
0xf: {  	[smem:$0x3FB1] =	sst s7  }
0x10: {  	[smem:$0x3FB2] =	sst s8  }
0x11: {  	[smem:$0x3FB3] =	sst s9;
	s0 =	simm.s32 @!p0 $0x0  }
0x12: {  	s1 =	sld [smem:$0x3F99];
	s0 =	simm.s32 @p0 $0x1  }
0x13: {  	[smem:$0x3FB4] =	sst s0;
	s0 =	simm.s32 @!p1 $0x0  }
0x14: {  	s2 =	sld [smem:$0x3F98];
	s0 =	simm.s32 @p1 $0x1  }
0x15: {  	[smem:$0x3FB5] =	sst s0;
	s0 =	simm.s32 @!p2 $0x0  }
0x16: {  	s3 =	sld [smem:$0x3FDB];
	s0 =	simm.s32 @p2 $0x1  }
0x17: {  	s4 =	simm.s32 $0x1BF5;
	[smem:$0x3FB7] =	sst s0  }
0x18: {  	s0 =	sld [smem:$0x3F9A];
	_ =	swait.ge [sflag:s4], $0x0  }
0x19: {  	s7 =	sld [smem:$0x3F9B]  }
0x1a: {  	s8 =	sadd.s32 $0xFFFFE003, lr  }
0x1b: {  	s9 =	sadd.s32 $0xFFFFFEF7, lr;
	s5 =	simm.s32 $0xFFFFFFFF;
	p2 =	slt.u32 s8, $0xFFFFF086  }
0x1c: {  	p1 =	slt.u32 s9, $0xF7A;
	s5 =	simm.s32 @!p2 $0x0  }
0x1d: {  	s5 =	simm.s32 @p1 $0x1;
	p0 =	seq.s32 s7, s2  }
0x1e: {  	s7 =	smul.u32 @!p0 $0xF7A, s2;
	p2 =	seq.s32 @!p0 s5, $0x0  }
0x1f: {  	s9 =	smul.u32 $0xF7A, s1;
	s8 =	simm.s32 @!p0 $0x1BF5;
	p2 =	por !p2, p0  }
0x20: {  	[sflag:s8] =	ssyncset.s32 @!p0 $0xFFFFF086;
	s6 =	sadd.s32 @!p0 s3, s7;
	s7 =	simm.s32 @!p0 $0x108  }
0x21: {  	s3 =	sadd.s32 s3, s9;
	s6 =	sadd.s32 @!p0 $0x88, s6;
	s7 =	simm.s32 @p2 $0x1082  }
0x22: {  	[simem:s7], [sflag:s8] =	dma.local @!p0 [hbm:s6], $0xF7A  }
0x23: {  	s9 =	sor.u32 $0xD0000000, s2;
	s6 =	simm.s32 $0x108;
	_ =	swait.ge @!p0 [sflag:s8], $0x0  }
0x24: {  	s3 =	sadd.s32 $0x88, s3;
	s6 =	simm.s32 @!p1 $0x1082;
	[sflag:s4] =	ssyncset.s32 $0xFFFFF086  }
0x25: {  	[simem:s6], [sflag:s4] =	dma.local [hbm:s3], $0xF7A  }
0x26: {  	[smem:$0x3F9B] =	sst s1;
	(tag) =	ssettag s2;
	_ =	strace s9  }
0x27: {  	s1 =	sld [smem:$0x3FAB]  }
0x28: {  	s2 =	sld [smem:$0x3FAC]  }
0x29: {  	s4 =	sld [smem:$0x3FAE]  }
0x2a: {  	p0 =	seq.s32 s5, $0x0;
	s5 =	sld [smem:$0x3FAF]  }
0x2b: {  	s6 =	sld [smem:$0x3FB0]  }
0x2c: {  	s7 =	sld [smem:$0x3FB1]  }
0x2d: {  	s3 =	simm.s32 $0x108;
	s8 =	sld [smem:$0x3FB2]  }
0x2e: {  	s3 =	simm.s32 @!p0 $0x1082;
	s9 =	sld [smem:$0x3FB3]  }
0x2f: {  	lr =	sadd.s32 s0, s3;
	s0 =	sld [smem:$0x3FAA]  }
0x30: {  	s3 =	sld [smem:$0x3FAD]  }
0x31: {  	[smem:$0x3FB6] =	sst s10  }
0x32: {  	s10 =	sld [smem:$0x3FB4];
	_ =	sdelay $0x3  }
0x33: {  	p0 =	seq.s32 s10, $0x1;
	s10 =	sld [smem:$0x3FB6];
	_ =	sdelay $0x3  }
0x34: {  	[smem:$0x3FB6] =	sst s10  }
0x35: {  	s10 =	sld [smem:$0x3FB5];
	_ =	sdelay $0x3  }
0x36: {  	p1 =	seq.s32 s10, $0x1;
	s10 =	sld [smem:$0x3FB6];
	_ =	sdelay $0x3  }
0x37: {  	[smem:$0x3FB6] =	sst s10  }
0x38: {  	s10 =	sld [smem:$0x3FB7]  }
0x39: {  	_ = 	snop;
	(pc) =	sbr.ind lr, $3  }
0x3a: {  	_ = 	snop  }
0x3b: {  	_ = 	snop  }
0x3c: {  	p2 =	seq.s32 s10, $0x1;
	s10 =	sld [smem:$0x3FB6]  }
0x3d: {  	_ =	shalt  }
0x3e: {  	_ =	shalt  }
0x3f: {  	_ =	shalt  }
0x40: {  	_ =	shalt  }
0x41: {  	_ =	shalt  }
0x42: {  	_ =	shalt  }
0x43: {  	_ =	shalt  }
0x44: {  	_ =	shalt  }
0x45: {  	_ =	shalt  }
0x46: {  	_ =	shalt  }
0x47: {  	_ =	shalt  }
0x48: {  	_ =	shalt  }
0x49: {  	_ =	shalt  }
0x4a: {  	_ =	shalt  }
0x4b: {  	_ =	shalt  }
0x4c: {  	_ =	shalt  }
0x4d: {  	_ =	shalt  }
0x4e: {  	_ =	shalt  }
0x4f: {  	_ =	shalt  }
0x50: {  	_ =	shalt  }
0x51: {  	_ =	shalt  }
0x52: {  	_ =	shalt  }
0x53: {  	_ =	shalt  }
0x54: {  	_ =	shalt  }
0x55: {  	_ =	shalt  }
0x56: {  	_ =	shalt  }
0x57: {  	_ =	shalt  }
0x58: {  	_ =	shalt  }
0x59: {  	_ =	shalt  }
0x5a: {  	_ =	shalt  }
0x5b: {  	_ =	shalt  }
0x5c: {  	_ =	shalt  }
0x5d: {  	_ =	shalt  }
0x5e: {  	_ =	shalt  }
0x5f: {  	_ =	shalt  }
0x60: {  	_ =	shalt  }
0x61: {  	_ =	shalt  }
0x62: {  	_ =	shalt  }
0x63: {  	_ =	shalt  }
0x64: {  	_ =	shalt  }
0x65: {  	_ =	shalt  }
0x66: {  	_ =	shalt  }
0x67: {  	_ =	shalt  }
0x68: {  	_ =	shalt  }
0x69: {  	_ =	shalt  }
0x6a: {  	_ =	shalt  }
0x6b: {  	_ =	shalt  }
0x6c: {  	_ =	shalt  }
0x6d: {  	_ =	shalt  }
0x6e: {  	_ =	shalt  }
0x6f: {  	_ =	shalt  }
0x70: {  	_ =	shalt  }
0x71: {  	_ =	shalt  }
0x72: {  	_ =	shalt  }
0x73: {  	_ =	shalt  }
0x74: {  	_ =	shalt  }
0x75: {  	_ =	shalt  }
0x76: {  	_ =	shalt  }
0x77: {  	_ =	shalt  }
0x78: {  	_ =	shalt  }
0x79: {  	_ =	shalt  }
0x7a: {  	_ =	shalt  }
0x7b: {  	_ =	shalt  }
0x7c: {  	_ =	shalt  }
0x7d: {  	_ =	shalt  }
0x7e: {  	_ =	shalt  }
0x7f: {  	_ =	shalt  }
0x80: {  	_ =	shalt  }
0x81: {  	_ =	shalt  }
0x82: {  	_ =	shalt  }
0x83: {  	_ =	shalt  }
0x84: {  	_ =	shalt  }
0x85: {  	_ =	shalt  }
0x86: {  	_ =	shalt  }
0x87: {  	_ =	shalt  }
.Lfunc_end0:
.L_simem_size_0:
called_computation.2_lowered:
.L_overlay_start_0:
0x88: {  	s2 =	sld [smem:$0x3FD9]  }
0x89: {  	s3 =	sld [smem:$0x3FFE];
	_ =	sdelay $0x1  }
0x8a: {  	s1 =	srdreg.scid  }
0x8b: {  	s0 =	sand.u32 $0x1, s1  }
0x8c: {  	s17 =	sshll.u32 s0, $0xA;
	s2 =	sadd.s32 s3, s2  }
0x8d: {  	s2 =	sadd.s32 s2, s17  }
0x8e: {  	[smem:$0x3FC2] =	sst s2  }
0x8f: {  	_ = 	snop  }
0x90: {  	s2 =	sld [smem:$0x3FC6]  }
0x91: {  	s18 =	sld [smem:$0x3FD0];
	(tm) =	ssettm $0x1  }
0x92: {  	s4 =	sld [smem:$0x3FFB];
	_ =	sdelay $0x3  }
0x93: {  	_ =	strace s4  }
0x94: {  	s4 =	sld [smem:$0x3FFC];
	_ =	sdelay $0x3  }
0x95: {  	_ =	strace s4  }
0x96: {  	s4 =	sld [smem:$0x3FFD];
	_ =	sdelay $0x3  }
0x97: {  	_ =	strace s4  }
0x98: {  	_ =	strace $0x8FFFFFFF  }
0x99: {  	s19 =	sld [smem:$0x3FDB];
	_ =	sdelay $0x1  }
0x9a: {  	s5 =	simm.s32 $_scs_section_size  }
0x9b: {  	s6 =	simm.s32 $_size__tile_overlayer_lowered;
	s7 =	simm.s32 $_tile_overlayer_lowered  }
0x9c: {  	s22 =	simm.s32 $0x1BFF;
	s21 =	sshll.u32 s7, $0x1;
	s4 =	sadd.s32 s5, s19  }
0x9d: {  	s8 =	simm.s32 $0x0;
	s20 =	sshll.u32 s6, $0x1;
	s6 =	sadd.s32 s21, s4  }
0x9e: {  	[timem:s8], [sflag:s22] =	dma.local [hbm:s6], s20  }
0x9f: {  	_ =	swait.ge [sflag:s22], s20  }
0xa0: {  	s5 =	ssub.s32 $0x0, s20;
	[sflag:s22] =	ssyncset.done $0x0  }
0xa1: {  	[sflag:s22] =	ssyncadd.s32 s5;
	_ =	sdelay $0x1  }
0xa2: {  	s23 =	simm.s32 $0x1B8B  }
0xa3: {  	_ =	swait.ge [sflag:s23], $0x1  }
0xa4: {  	[sflag:s23] =	ssyncset.done $0x0  }
0xa5: {  	s25 =	simm.s32 $0x1B8E;
	s24 =	sld [smem:$0x3FFE];
	[sflag:s23] =	ssyncadd.s32 $0xFFFFFFFF  }
0xa6: {  	s26 =	simm.s32 $execute0_lowered;
	[smem:$0x3FD2] =	sst s25  }
0xa7: {  	s6 =	sshll.u32 s26, $0x1;
	_ =	strace $0x8000004C;
	[dreg:$0x1] =	wrdreg $0xFFFFFFFF  }
0xa8: {  	s28 =	simm.s32 $_size_execute0_lowered;
	s4 =	sadd.s32 s4, s6;
	[dreg:$0x0] =	wrdreg $0x0  }
0xa9: {  	s6 =	sshll.u32 s28, $0x1;
	[dreg:$0x2] =	wrdreg s4  }
0xaa: {  	[dreg:$0x3] =	wrdreg s6  }
0xab: {  	[dreg:$0x4] =	wrdreg $0xC0  }
0xac: {  	_ =	task [dreg:s8], $0x5FFFF  }
0xad: {  	[dreg:$0x1] =	wrdreg $0xFFFFFFFF  }
0xae: {  	[dreg:$0x0] =	wrdreg $0x60  }
0xaf: {  	[dreg:$0x2] =	wrdreg s24  }
0xb0: {  	[dreg:$0x3] =	wrdreg s2  }
0xb1: {  	[dreg:$0x4] =	wrdreg s18  }
0xb2: {  	[dreg:$0x5] =	wrdreg $0x175900  }
0xb3: {  	[dreg:$0x6] =	wrdreg $0x19D100  }
0xb4: {  	[dreg:$0x7] =	wrdreg $0x9  }
0xb5: {  	_ =	task.clear_ibuf [dreg:s8], $0x8FFFF;
	_ =	strace $0x9000004C  }
0xb6: {  	s29 =	simm.s32 $0x9;
	_ =	strace $0x8000004E  }
0xb7: {  	_ =	swait.ge [sflag:s29], $0x1  }
0xb8: {  	[sflag:s29] =	ssyncadd.s32 $0xFFFFFFFF  }
0xb9: {  	_ =	strace $0x9000004E  }
0xba: {  	_ =	sfence  }
0xbb: {  	s30 =	sld [smem:$0x0];
	_ =	sdelay $0x2  }
0xbc: {  	s31 =	sshll.u32 s1, $0xD;
	s1 =	sshrl.u32 s1, $0x2  }
0xbd: {  	s3 =	sand.u32 $0x4000, s31;
	s1 =	sadd.s32 s1, s30  }
0xbe: {  	s0 =	sor.u32 s3, s0;
	s1 =	sshll.u32 s1, $0x11  }
0xbf: {  	s0 =	sor.u32 s1, s0  }
0xc0: {  	s0 =	sadd.s32 $0x8F2B, s0  }
0xc1: {  	[sflag:s0] =	ssyncadd.remote.s32 $0x1  }
0xc2: {  	_ =	sfence.sel $0xFFFF  }
0xc3: {  	[dreg:$0x0] =	wrdreg $0xFFFFFFFF;
	(pc) =	sbr.abs _section_cstart, $3  }
0xc4: {  	[dreg:$0x1] =	wrdreg $0xFFFFFFFF  }
0xc5: {  	_ =	task.clear_ibuf [dreg:s8], $0x2FFFF;
	_ =	strace $0x9FFFFFFF  }
0xc6: {  	(tm) =	ssettm $0x7FFFFFFF  }
0xc7: {  	_ =	shalt  }
tec
execute0_lowered:
.L_overlay_start_1:
0x0: {  	(tag) =	ssettag $0x1  }
0x1: {  	s0 =	rddreg [dreg:$0x0];
	s1 =	srdreg.scid  }
0x2: {  	s8 =	stileid.u32;
	s2 =	rddreg [dreg:$0x2]  }
0x3: {  	s3 =	rddreg [dreg:$0x3];
	s19 =	simm.s32 $0x19;
	s21 =	simm.s32 $0xB000  }
0x4: {  	s28 =	simm.s32 $0x80;
	s29 =	simm.s32 $0x10;
	s30 =	simm.s32 $0x11  }
0x5: {  	s1 =	sand.u32 $0x1, s1;
	s4 =	sshll.u32 s8, $0x1;
	s22 =	smul.u32 $0x278, s8  }
0x6: {  	s31 =	simm.s32 $0x12;
	s15 =	smul.u32 $0x2780, s8;
	s5 =	sor.u32 s1, s4  }
0x7: {  	s4 =	rddreg [dreg:$0x4];
	s7 =	smul.u32 $0x2780, s1;
	s9 =	ssub.s32 $0x2, s1  }
0x8: {  	p0 =	sne.s32 s1, $0x0;
	s1 =	simm.s32 $0x0;
	s6 =	smul.u32 $0x500, s5  }
0x9: {  	s5 =	simm.s32 $0x0;
	s10 =	sshrl.u32 s15, $0x3;
	s11 =	sshrl.u32 s9, $0x1  }
0xa: {  	[smem:$0x7FF] =	sst s5;
	s7 =	sadd.s32 s22, s7;
	s18 =	ssub.s32 s9, s11  }
0xb: {  	_ =	strace $0x8000004D;
	s24 =	sadd.s32 s6, s0;
	s7 =	sshll.u32 s7, $0x1  }
0xc: {  	s2 =	sadd.s32 s2, s6;
	s18 =	smax.u32 s18, $0x1;
	s17 =	sadd.s32 s7, s0  }
0xd: {  	s0 =	sadd.s32 s10, s0;
	s25 =	sadd.s32 $0x3000, s24;
	[dreg:$0x7] =	wrdreg s2  }
0xe: {  	s10 =	sadd.s32 s15, s3;
	s15 =	sadd.s32 s15, s4;
	s24 =	simm.s32 $0x12680  }
0xf: {  	s2 =	simm.s32 $0x13;
	[dreg:$0x6] =	wrdreg s25;
	s26 =	sadd.s32 $0x12000, s0  }
0x10: {  	s11 =	sadd.s32 $0x17000, s0;
	s12 =	sadd.s32 $0x1BF00, s0;
	s13 =	sadd.s32 $0xD000, s0  }
0x11: {  	s14 =	sadd.s32 $0x20E00, s0;
	s16 =	sadd.s32 $0x25E00, s0;
	s17 =	sadd.s32 $0x2AE00, s17  }
0x12: {  	s0 =	simm.s32 $0x14;
	[dreg:$0x8] =	wrdreg s26;
	s26 =	simm.s32 $0xF  }
.LBB2_1:
0x13: {  	s6 =	rddreg [dreg:$0x6]  }
0x14: {  	[tilespmem:s5], [sflag:$0x19] =	stream.linear.gather [hbm4b:s6+s5], $0x2800, $0x38;
	[tilespmem:$0x1C490] =	vst v63  }
0x15: {  	_ =	swait.ge [sflag:s19], $0x2800  }
0x16: {  	[sflag:s19] =	ssyncset.done $0x0  }
0x17: {  	s7 =	simm.s32 $0x2800;
	s25 =	rddreg [dreg:$0x7];
	[sflag:s19] =	ssyncadd.s32 $0xFFFFD800  }
0x18: {  	[tilespmem:s7], [sflag:$0x19] =	stream.linear.gather [hbm4b:s25+s5], $0x2800, $0x38;
	[tilespmem:$0x1C490] =	vst v63  }
0x19: {  	_ =	swait.ge [sflag:s19], $0x2800  }
0x1a: {  	[sflag:s19] =	ssyncset.done $0x0  }
0x1b: {  	s7 =	rddreg [dreg:$0x8];
	[sflag:s19] =	ssyncadd.s32 $0xFFFFD800  }
0x1c: {  	[tilespmem:s21], [sflag:$0x19] =	stream.linear.gather [hbm4b:s7+s5], $0x2780, $0x38;
	[tilespmem:$0x1C490] =	vst v63  }
0x1d: {  	_ =	swait.ge [sflag:s19], $0x2780  }
0x1e: {  	[sflag:s19] =	ssyncset.done $0x0  }
0x1f: {  	[sflag:s19] =	ssyncadd.s32 $0xFFFFD880  }
0x20: {  	[spmem:s10] =	stream.linear.scatter [tilespmem:s21], [sflag:$0x19], $0x2780, $0x38;
	[tilespmem:$0x1C490] =	vst v63  }
0x21: {  	_ =	swait.ge [sflag:s19], $0x2780  }
0x22: {  	[sflag:s19] =	ssyncset.done $0x0  }
0x23: {  	s8 =	simm.s32 $0xD780;
	[sflag:s19] =	ssyncadd.s32 $0xFFFFD880  }
0x24: {  	[tilespmem:s8], [sflag:$0x19] =	stream.linear.gather [hbm4b:s11+s5], $0x2780, $0x38;
	[tilespmem:$0x1C490] =	vst v63  }
0x25: {  	_ =	swait.ge [sflag:s19], $0x2780  }
0x26: {  	[sflag:s19] =	ssyncset.done $0x0  }
0x27: {  	s9 =	simm.s32 $0xFF00;
	[sflag:s19] =	ssyncadd.s32 $0xFFFFD880  }
0x28: {  	[tilespmem:s9], [sflag:$0x19] =	stream.linear.gather [hbm4b:s12+s5], $0x2780, $0x38;
	[tilespmem:$0x1C490] =	vst v63  }
0x29: {  	_ =	swait.ge [sflag:s19], $0x2780  }
0x2a: {  	[sflag:s19] =	ssyncset.done $0x0  }
0x2b: {  	[sflag:s19] =	ssyncadd.s32 $0xFFFFD880  }
0x2c: {  	[tilespmem:s24], [sflag:$0x19] =	stream.linear.gather [hbm4b:s13+s5], $0x2780, $0x38;
	[tilespmem:$0x1C490] =	vst v63  }
0x2d: {  	_ =	swait.ge [sflag:s19], $0x2780  }
0x2e: {  	[sflag:s19] =	ssyncset.done $0x0  }
0x2f: {  	s20 =	simm.s32 $0x14E00;
	[sflag:s19] =	ssyncadd.s32 $0xFFFFD880  }
0x30: {  	[tilespmem:s20], [sflag:$0x19] =	stream.linear.gather [hbm4b:s14+s5], $0x2780, $0x38;
	[tilespmem:$0x1C490] =	vst v63  }
0x31: {  	_ =	swait.ge [sflag:s19], $0x2780  }
0x32: {  	[sflag:s19] =	ssyncset.done $0x0  }
0x33: {  	[sflag:s19] =	ssyncadd.s32 $0xFFFFD880  }
0x34: {  	s25 =	simm.s32 $0x17580;
	s23 =	rddreg [dreg:$0x1]  }
0x35: {  	[tilespmem:s25], [sflag:$0x19] =	stream.linear.gather [hbm4b:s23+s5], $0x10, $0x38;
	[tilespmem:$0x1C490] =	vst v63  }
0x36: {  	_ =	swait.ge [sflag:s19], $0x10  }
0x37: {  	[sflag:s19] =	ssyncset.done $0x0  }
0x38: {  	s20 =	simm.s32 $0x0;
	[sflag:s19] =	ssyncadd.s32 $0xFFFFFFF0  }
0x39: {  	v0 =	vld [tilespmem:s20+$0xD780]  }
0x3a: {  	v1 =	vld [tilespmem:s20+$0xFF00];
	_ =	sdelay $0x1  }
0x3b: {  	v2 =	vld [tilespmem:s20+$0x12680];
	_ =	sdelay $0x1  }
0x3c: {  	v3 =	vld [tilespmem:s20+$0x14E00]  }
0x3d: {  	v0 =	vadd.f32 v1, v0  }
0x3e: {  	v1 =	vld [tilespmem:$0x17580]  }
0x3f: {  	v0 =	vadd.f32 v2, v0;
	_ =	sdelay $0x1  }
0x40: {  	v0 =	vmul.f32 v0, v3;
	_ =	sdelay $0x1  }
0x41: {  	v0 =	vadd.f32 v0, v1;
	_ =	sdelay $0x1  }
0x42: {  	v0 =	vmax.f32 v0, $0.0e+00  }
0x43: {  	s25 =	simm.s32 $0x10;
	v1 =	vmul.f32 v0, v3  }
0x44: {  	p2 =	slt.u32 s22, $0x2710;
	s6 =	smov.u32 s22;
	s23 =	simm.s32 $0x80;
	v0 =	vld [tilespmem:s25+$0xD780]  }
.LBB2_2:
0x45: {  	p1 =	sne.s32 s23, $0x9DC0;
	v2 =	vld [tilespmem:s25+$0xFF00];
	v1 =	vpsel !p2, $0x0, v1  }
0x46: {  	[tilespmem:s20+$0x12680] =	vst v1;
	s20 =	smov.u32 s25  }
0x47: {  	v1 =	vld [tilespmem:s20+$0x12680];
	_ =	sdelay $0x1  }
0x48: {  	v3 =	vld [tilespmem:s20+$0x14E00]  }
0x49: {  	v0 =	vadd.f32 v2, v0  }
0x4a: {  	v2 =	vld [tilespmem:$0x17580]  }
0x4b: {  	v0 =	vadd.f32 v1, v0;
	_ =	sdelay $0x1  }
0x4c: {  	v0 =	vmul.f32 v0, v3;
	_ =	sdelay $0x1  }
.Ltmp0:
0x4d: {  	v0 =	vadd.f32 v0, v2;
	(pc) =	sbr.rel @p1 .LBB2_2-.Ltmp0, $4  }
0x4e: {  	_ = 	snop  }
0x4f: {  	v0 =	vmax.f32 v0, $0.0e+00  }
0x50: {  	s6 =	sadd.s32 $0x1, s6;
	s25 =	sshra.s32 s23, $0x2;
	v1 =	vmul.f32 v0, v3  }
0x51: {  	s23 =	sadd.s32 $0x40, s23;
	p2 =	slt.u32 s6, $0x2710;
	v0 =	vld [tilespmem:s25+$0xD780]  }
0x52: {  	v2 =	vld [tilespmem:s25+$0xFF00];
	v1 =	vpsel !p2, $0x0, v1  }
0x53: {  	[tilespmem:s20+$0x12680] =	vst v1  }
0x54: {  	v1 =	vld [tilespmem:s25+$0x12680];
	_ =	sdelay $0x1  }
0x55: {  	v3 =	vld [tilespmem:s25+$0x14E00]  }
0x56: {  	v0 =	vadd.f32 v2, v0  }
0x57: {  	v63 =	vld [tilespmem:$0x17580]  }
0x58: {  	v0 =	vadd.f32 v1, v0;
	_ =	sdelay $0x1  }
0x59: {  	v0 =	vmul.f32 v0, v3;
	_ =	sdelay $0x1  }
0x5a: {  	v0 =	vadd.f32 v0, v63;
	_ =	sdelay $0x1  }
0x5b: {  	v0 =	vmax.f32 v0, $0.0e+00  }
0x5c: {  	s6 =	sadd.s32 $0x1, s6;
	v0 =	vmul.f32 v0, v3  }
0x5d: {  	p1 =	slt.u32 s6, $0x2710  }
0x5e: {  	v0 =	vpsel !p1, $0x0, v0  }
0x5f: {  	[tilespmem:s25+$0x12680] =	vst v0  }
0x60: {  	[spmem:s15] =	stream.linear.scatter [tilespmem:s24], [sflag:$0x19], $0x2780, $0x38;
	[tilespmem:$0x1C490] =	vst v63  }
0x61: {  	_ =	swait.ge [sflag:s19], $0x2780  }
0x62: {  	[sflag:s19] =	ssyncset.done $0x0  }
0x63: {  	s6 =	simm.s32 @!p0 $0x0;
	s20 =	simm.s32 @!p0 $0x12680;
	[sflag:s19] =	ssyncadd.s32 $0xFFFFD880  }
0x64: {  	[hbm4b:s16+s6] =	stream.linear.scatter @!p0 [tilespmem:s20], [sflag:$0x19], $0x2780, $0x38;
	[tilespmem:$0x1C490] =	vst v63  }
0x65: {  	s6 =	simm.s32 @!p0 $0x19  }
0x66: {  	_ =	swait.ge @!p0 [sflag:s6], $0x2780  }
0x67: {  	[sflag:s6] =	ssyncset.done @!p0 $0x0  }
0x68: {  	[sflag:s6] =	ssyncadd.s32 @!p0 $0xFFFFD880  }
0x69: {  	s7 =	simm.s32 $0x5000;
	s20 =	simm.s32 $0x0;
	[bflag:$0x0] =	sbarrier.arrive $0xFFFF  }
0x6a: {  	[tilespmem:s7], [sflag:$0x1] =	stream.indirect.gather [spmem:s4], $0x10, s20, s28, $0xb8;
	[tilespmem:$0x1C490] =	vst v63  }
0x6b: {  	s8 =	simm.s32 $0x5800  }
0x6c: {  	[tilespmem:s8], [sflag:$0x2] =	stream.indirect.gather [spmem:s4], $0x10, s28, s28, $0xb8;
	[tilespmem:$0x1C490] =	vst v63  }
0x6d: {  	s9 =	simm.s32 $0x100;
	s7 =	simm.s32 $0x6000  }
0x6e: {  	[tilespmem:s7], [sflag:$0x3] =	stream.indirect.gather [spmem:s4], $0x10, s9, s28, $0xb8;
	[tilespmem:$0x1C490] =	vst v63  }
0x6f: {  	s23 =	simm.s32 $0x180;
	s25 =	simm.s32 $0x6800  }
0x70: {  	[tilespmem:s25], [sflag:$0x4] =	stream.indirect.gather [spmem:s4], $0x10, s23, s28, $0xb8;
	[tilespmem:$0x1C490] =	vst v63  }
0x71: {  	s8 =	simm.s32 $0x200;
	s9 =	simm.s32 $0x7000  }
0x72: {  	[tilespmem:s9], [sflag:$0x5] =	stream.indirect.gather [spmem:s4], $0x10, s8, s28, $0xb8;
	[tilespmem:$0x1C490] =	vst v63  }
0x73: {  	s23 =	simm.s32 $0x280;
	s25 =	simm.s32 $0x7800  }
0x74: {  	[tilespmem:s25], [sflag:$0x6] =	stream.indirect.gather [spmem:s4], $0x10, s23, s28, $0xb8;
	[tilespmem:$0x1C490] =	vst v63  }
0x75: {  	s6 =	simm.s32 $0x300;
	s23 =	simm.s32 $0x2800  }
.LBB2_4:
0x76: {  	s25 =	smul.u32 $0xAB, s20;
	_ =	sdelay $0x1  }
0x77: {  	p1 =	slt.u32 s20, $0x6;
	s25 =	sshrl.u32 s25, $0xB  }
0x78: {  	s7 =	sadd.s32 @!p1 $0xFFFFFFFA, s20;
	s25 =	sand.u32 $0x1F, s25  }
0x79: {  	s9 =	sand.u32 @!p1 $0xFF, s7;
	s25 =	smul.u32 $0xC, s25  }
0x7a: {  	s9 =	smul.u32 @!p1 $0xAB, s9  }
0x7b: {  	s25 =	ssub.s32 s20, s25  }
0x7c: {  	s9 =	sshrl.u32 @!p1 s9, $0xB;
	s25 =	sand.u32 $0xFF, s25  }
0x7d: {  	s9 =	smul.u32 @!p1 $0xC, s9;
	s8 =	sadd.s32 $0x1, s25  }
0x7e: {  	_ =	swait.ge [sflag:s8], $0x800  }
0x7f: {  	s7 =	ssub.s32 @!p1 s7, s9;
	[sflag:s8] =	ssyncset.done $0x0  }
0x80: {  	s7 =	sand.u32 @!p1 $0xFF, s7;
	[sflag:s8] =	ssyncadd.s32 $0xFFFFF800;
	s8 =	sshll.u32 s25, $0xB  }
0x81: {  	s7 =	sadd.s32 @!p1 $0xD, s7;
	s25 =	sadd.s32 $0xD, s25;
	s8 =	sadd.s32 $0x5000, s8  }
0x82: {  	[spmem:s3] =	stream.indirect.scatter.add.f32 [tilespmem:s8], [sflag:s25], $0x10, s23, s28, $0xb8;
	[tilespmem:$0x1C490] =	vst v63  }
0x83: {  	p2 =	sgt.u32 @!p1 s20, $0x49;
	_ =	swait.ge @!p1 [sflag:s7], $0x800  }
0x84: {  	p2 =	por p1, !p2;
	[sflag:s7] =	ssyncset.done @!p1 $0x0  }
0x85: {  	[sflag:s7] =	ssyncadd.s32 @!p1 $0xFFFFF800;
	s7 =	sadd.s32 @p2 $0x6, s20  }
0x86: {  	s8 =	smul.u32 @p2 $0xAB, s7;
	_ =	sdelay $0x1  }
0x87: {  	s8 =	sshrl.u32 @p2 s8, $0xB  }
0x88: {  	s8 =	sand.u32 @p2 $0x1F, s8  }
0x89: {  	s8 =	smul.u32 @p2 $0xC, s8  }
0x8a: {  	s20 =	sadd.s32 $0x1, s20  }
0x8b: {  	p1 =	sne.s32 s20, $0x50;
	s7 =	ssub.s32 @p2 s7, s8  }
.Ltmp1:
0x8c: {  	s7 =	sand.u32 @p2 $0xFF, s7;
	(pc) =	sbr.rel @p1 .LBB2_4-.Ltmp1, $4  }
0x8d: {  	s8 =	sshll.u32 @p2 s7, $0xB  }
0x8e: {  	s7 =	sadd.s32 @p2 $0x1, s7;
	s8 =	sadd.s32 @p2 $0x5000, s8  }
0x8f: {  	[tilespmem:s8], [sflag:s7] =	stream.indirect.gather @p2 [spmem:s4], $0x10, s6, s28, $0xb8;
	[tilespmem:$0x1C490] =	vst v63  }
0x90: {  	s23 =	sadd.s32 $0x80, s23;
	s6 =	sadd.s32 $0x80, s6  }
0x91: {  	_ =	swait.ge [sflag:s26], $0x800  }
0x92: {  	[sflag:s26] =	ssyncset.done $0x0  }
0x93: {  	[sflag:s26] =	ssyncadd.s32 $0xFFFFF800  }
0x94: {  	_ =	swait.ge [sflag:s29], $0x800  }
0x95: {  	[sflag:s29] =	ssyncset.done $0x0  }
0x96: {  	[sflag:s29] =	ssyncadd.s32 $0xFFFFF800  }
0x97: {  	_ =	swait.ge [sflag:s30], $0x800  }
0x98: {  	[sflag:s30] =	ssyncset.done $0x0  }
0x99: {  	[sflag:s30] =	ssyncadd.s32 $0xFFFFF800  }
0x9a: {  	_ =	swait.ge [sflag:s31], $0x800  }
0x9b: {  	[sflag:s31] =	ssyncset.done $0x0  }
0x9c: {  	[sflag:s31] =	ssyncadd.s32 $0xFFFFF800  }
0x9d: {  	_ =	swait.ge [sflag:s2], $0x800  }
0x9e: {  	[sflag:s2] =	ssyncset.done $0x0  }
0x9f: {  	[sflag:s2] =	ssyncadd.s32 $0xFFFFF800  }
0xa0: {  	_ =	swait.ge [sflag:s0], $0x800  }
0xa1: {  	[sflag:s0] =	ssyncset.done $0x0  }
0xa2: {  	[sflag:s0] =	ssyncadd.s32 $0xFFFFF800  }
0xa3: {  	[bflag:$0x0] =	sbarrier.arrive $0xFFFF  }
0xa4: {  	[tilespmem:s21], [sflag:$0x19] =	stream.linear.gather [spmem:s10], $0x2780, $0x38;
	[tilespmem:$0x1C490] =	vst v63  }
0xa5: {  	s1 =	sadd.s32 $0x1, s1;
	_ =	swait.ge [sflag:s19], $0x2780  }
0xa6: {  	p1 =	sne.s32 s1, s18;
	[sflag:s19] =	ssyncset.done $0x0  }
.Ltmp2:
0xa7: {  	[sflag:s19] =	ssyncadd.s32 $0xFFFFD880;
	(pc) =	sbr.rel @p1 .LBB2_1-.Ltmp2, $4  }
0xa8: {  	[hbm4b:s17+s5] =	stream.linear.scatter [tilespmem:s21], [sflag:$0x19], $0x2780, $0x38;
	[tilespmem:$0x1C490] =	vst v63  }
0xa9: {  	_ =	swait.ge [sflag:s19], $0x2780  }
0xaa: {  	[sflag:s19] =	ssyncset.done $0x0  }
0xab: {  	[sflag:s19] =	ssyncadd.s32 $0xFFFFD880  }
0xac: {  	_ =	sfence.sel $0x180000  }
0xad: {  	[bflag:$0x0] =	sbarrier.arrive $0xFFFF  }
0xae: {  	_ =	strace $0x9000004D  }
0xaf: {  	s0 =	stileid.u32;
	[bflag:$0x2] =	sbarrier.arrive $0xFFFF  }
0xb0: {  	p0 =	sne.s32 s0, $0x0;
	s0 =	rddreg [dreg:$0x5]  }
0xb1: {  	s0 =	sadd.s32 @!p0 $0x100000, s0  }
0xb2: {  	[sflag:s0] =	ssyncadd.tile.s32 @!p0 $0x1;
	_ =	shalt  }
.Lfunc_end2:
_tile_overlayer_lowered:
.L_overlay_start_2:
0xb3: {  	(tag) =	ssettag $0x2  }
0xb4: {  	s0 =	rddreg [dreg:$0x0];
	s2 =	stileid.u32  }
0xb5: {  	s1 =	rddreg [dreg:$0x1];
	p0 =	sne.s32 s2, $0x0  }
0xb6: {  	s3 =	rddreg [dreg:$0x2];
	[bflag:$0x3] =	sbarrier.arrive $0xFFFF;
	s2 =	simm.s32 @!p0 $0x1C19  }
0xb7: {  	[timem:s3], [sflag:s2] =	dma.local @!p0 [hbm:s0], s1  }
0xb8: {  	s0 =	simm.s32 @!p0 $0x19  }
0xb9: {  	_ =	swait.ge @!p0 [sflag:s0], s1  }
0xba: {  	s1 =	ssub.s32 @!p0 $0x0, s1;
	[sflag:s0] =	ssyncset.done @!p0 $0x0  }
0xbb: {  	[sflag:s0] =	ssyncadd.s32 @!p0 s1  }
0xbc: {  	[bflag:$0x3] =	sbarrier.arrive $0xFFFF  }
0xbd: {  	_ =	shalt  }

// kernel: kernel.7.cloned.1.call-start
scs
__scs_entry_jumppad:
0x0: {  	(pc) =	sbr.rel $0x88, $3  }
0x1: {  	(tag) =	ssettag $0x0;
	lr =	simm.s32 $0x1  }
0x2: {  	[smem:$0x3F9B] =	sst lr;
	_ =	strace $0xD0000000  }
0x3: {  	_ = 	snop  }
0x4: {  	_ = 	snop  }
0x5: {  	_ = 	snop  }
0x6: {  	_ = 	snop  }
0x7: {  	_ = 	snop  }
__scs_overlays_trampoline_lowered:
0x8: {  	[smem:$0x3FAA] =	sst s0  }
0x9: {  	[smem:$0x3FAB] =	sst s1  }
0xa: {  	[smem:$0x3FAC] =	sst s2  }
0xb: {  	[smem:$0x3FAD] =	sst s3  }
0xc: {  	[smem:$0x3FAE] =	sst s4  }
0xd: {  	[smem:$0x3FAF] =	sst s5  }
0xe: {  	[smem:$0x3FB0] =	sst s6  }
0xf: {  	[smem:$0x3FB1] =	sst s7  }
0x10: {  	[smem:$0x3FB2] =	sst s8  }
0x11: {  	[smem:$0x3FB3] =	sst s9;
	s0 =	simm.s32 @!p0 $0x0  }
0x12: {  	s1 =	sld [smem:$0x3F99];
	s0 =	simm.s32 @p0 $0x1  }
0x13: {  	[smem:$0x3FB4] =	sst s0;
	s0 =	simm.s32 @!p1 $0x0  }
0x14: {  	s2 =	sld [smem:$0x3F98];
	s0 =	simm.s32 @p1 $0x1  }
0x15: {  	[smem:$0x3FB5] =	sst s0;
	s0 =	simm.s32 @!p2 $0x0  }
0x16: {  	s3 =	sld [smem:$0x3FDB];
	s0 =	simm.s32 @p2 $0x1  }
0x17: {  	s4 =	simm.s32 $0x1BF5;
	[smem:$0x3FB7] =	sst s0  }
0x18: {  	s0 =	sld [smem:$0x3F9A];
	_ =	swait.ge [sflag:s4], $0x0  }
0x19: {  	s7 =	sld [smem:$0x3F9B]  }
0x1a: {  	s8 =	sadd.s32 $0xFFFFE003, lr  }
0x1b: {  	s9 =	sadd.s32 $0xFFFFFEF7, lr;
	s5 =	simm.s32 $0xFFFFFFFF;
	p2 =	slt.u32 s8, $0xFFFFF086  }
0x1c: {  	p1 =	slt.u32 s9, $0xF7A;
	s5 =	simm.s32 @!p2 $0x0  }
0x1d: {  	s5 =	simm.s32 @p1 $0x1;
	p0 =	seq.s32 s7, s2  }
0x1e: {  	s7 =	smul.u32 @!p0 $0xF7A, s2;
	p2 =	seq.s32 @!p0 s5, $0x0  }
0x1f: {  	s9 =	smul.u32 $0xF7A, s1;
	s8 =	simm.s32 @!p0 $0x1BF5;
	p2 =	por !p2, p0  }
0x20: {  	[sflag:s8] =	ssyncset.s32 @!p0 $0xFFFFF086;
	s6 =	sadd.s32 @!p0 s3, s7;
	s7 =	simm.s32 @!p0 $0x108  }
0x21: {  	s3 =	sadd.s32 s3, s9;
	s6 =	sadd.s32 @!p0 $0x88, s6;
	s7 =	simm.s32 @p2 $0x1082  }
0x22: {  	[simem:s7], [sflag:s8] =	dma.local @!p0 [hbm:s6], $0xF7A  }
0x23: {  	s9 =	sor.u32 $0xD0000000, s2;
	s6 =	simm.s32 $0x108;
	_ =	swait.ge @!p0 [sflag:s8], $0x0  }
0x24: {  	s3 =	sadd.s32 $0x88, s3;
	s6 =	simm.s32 @!p1 $0x1082;
	[sflag:s4] =	ssyncset.s32 $0xFFFFF086  }
0x25: {  	[simem:s6], [sflag:s4] =	dma.local [hbm:s3], $0xF7A  }
0x26: {  	[smem:$0x3F9B] =	sst s1;
	(tag) =	ssettag s2;
	_ =	strace s9  }
0x27: {  	s1 =	sld [smem:$0x3FAB]  }
0x28: {  	s2 =	sld [smem:$0x3FAC]  }
0x29: {  	s4 =	sld [smem:$0x3FAE]  }
0x2a: {  	p0 =	seq.s32 s5, $0x0;
	s5 =	sld [smem:$0x3FAF]  }
0x2b: {  	s6 =	sld [smem:$0x3FB0]  }
0x2c: {  	s7 =	sld [smem:$0x3FB1]  }
0x2d: {  	s3 =	simm.s32 $0x108;
	s8 =	sld [smem:$0x3FB2]  }
0x2e: {  	s3 =	simm.s32 @!p0 $0x1082;
	s9 =	sld [smem:$0x3FB3]  }
0x2f: {  	lr =	sadd.s32 s0, s3;
	s0 =	sld [smem:$0x3FAA]  }
0x30: {  	s3 =	sld [smem:$0x3FAD]  }
0x31: {  	[smem:$0x3FB6] =	sst s10  }
0x32: {  	s10 =	sld [smem:$0x3FB4];
	_ =	sdelay $0x3  }
0x33: {  	p0 =	seq.s32 s10, $0x1;
	s10 =	sld [smem:$0x3FB6];
	_ =	sdelay $0x3  }
0x34: {  	[smem:$0x3FB6] =	sst s10  }
0x35: {  	s10 =	sld [smem:$0x3FB5];
	_ =	sdelay $0x3  }
0x36: {  	p1 =	seq.s32 s10, $0x1;
	s10 =	sld [smem:$0x3FB6];
	_ =	sdelay $0x3  }
0x37: {  	[smem:$0x3FB6] =	sst s10  }
0x38: {  	s10 =	sld [smem:$0x3FB7]  }
0x39: {  	_ = 	snop;
	(pc) =	sbr.ind lr, $3  }
0x3a: {  	_ = 	snop  }
0x3b: {  	_ = 	snop  }
0x3c: {  	p2 =	seq.s32 s10, $0x1;
	s10 =	sld [smem:$0x3FB6]  }
0x3d: {  	_ =	shalt  }
0x3e: {  	_ =	shalt  }
0x3f: {  	_ =	shalt  }
0x40: {  	_ =	shalt  }
0x41: {  	_ =	shalt  }
0x42: {  	_ =	shalt  }
0x43: {  	_ =	shalt  }
0x44: {  	_ =	shalt  }
0x45: {  	_ =	shalt  }
0x46: {  	_ =	shalt  }
0x47: {  	_ =	shalt  }
0x48: {  	_ =	shalt  }
0x49: {  	_ =	shalt  }
0x4a: {  	_ =	shalt  }
0x4b: {  	_ =	shalt  }
0x4c: {  	_ =	shalt  }
0x4d: {  	_ =	shalt  }
0x4e: {  	_ =	shalt  }
0x4f: {  	_ =	shalt  }
0x50: {  	_ =	shalt  }
0x51: {  	_ =	shalt  }
0x52: {  	_ =	shalt  }
0x53: {  	_ =	shalt  }
0x54: {  	_ =	shalt  }
0x55: {  	_ =	shalt  }
0x56: {  	_ =	shalt  }
0x57: {  	_ =	shalt  }
0x58: {  	_ =	shalt  }
0x59: {  	_ =	shalt  }
0x5a: {  	_ =	shalt  }
0x5b: {  	_ =	shalt  }
0x5c: {  	_ =	shalt  }
0x5d: {  	_ =	shalt  }
0x5e: {  	_ =	shalt  }
0x5f: {  	_ =	shalt  }
0x60: {  	_ =	shalt  }
0x61: {  	_ =	shalt  }
0x62: {  	_ =	shalt  }
0x63: {  	_ =	shalt  }
0x64: {  	_ =	shalt  }
0x65: {  	_ =	shalt  }
0x66: {  	_ =	shalt  }
0x67: {  	_ =	shalt  }
0x68: {  	_ =	shalt  }
0x69: {  	_ =	shalt  }
0x6a: {  	_ =	shalt  }
0x6b: {  	_ =	shalt  }
0x6c: {  	_ =	shalt  }
0x6d: {  	_ =	shalt  }
0x6e: {  	_ =	shalt  }
0x6f: {  	_ =	shalt  }
0x70: {  	_ =	shalt  }
0x71: {  	_ =	shalt  }
0x72: {  	_ =	shalt  }
0x73: {  	_ =	shalt  }
0x74: {  	_ =	shalt  }
0x75: {  	_ =	shalt  }
0x76: {  	_ =	shalt  }
0x77: {  	_ =	shalt  }
0x78: {  	_ =	shalt  }
0x79: {  	_ =	shalt  }
0x7a: {  	_ =	shalt  }
0x7b: {  	_ =	shalt  }
0x7c: {  	_ =	shalt  }
0x7d: {  	_ =	shalt  }
0x7e: {  	_ =	shalt  }
0x7f: {  	_ =	shalt  }
0x80: {  	_ =	shalt  }
0x81: {  	_ =	shalt  }
0x82: {  	_ =	shalt  }
0x83: {  	_ =	shalt  }
0x84: {  	_ =	shalt  }
0x85: {  	_ =	shalt  }
0x86: {  	_ =	shalt  }
0x87: {  	_ =	shalt  }
.Lfunc_end0:
.L_simem_size_0:
called_computation_lowered:
.L_overlay_start_0:
0x88: {  	s2 =	sld [smem:$0x3FD9]  }
0x89: {  	s3 =	sld [smem:$0x3FFE];
	_ =	sdelay $0x1  }
0x8a: {  	s1 =	srdreg.scid  }
0x8b: {  	s0 =	sand.u32 $0x1, s1  }
0x8c: {  	s17 =	sshll.u32 s0, $0xA;
	s2 =	sadd.s32 s3, s2  }
0x8d: {  	s2 =	sadd.s32 s2, s17  }
0x8e: {  	[smem:$0x3FC2] =	sst s2  }
0x8f: {  	_ = 	snop  }
0x90: {  	s2 =	sld [smem:$0x3FD0];
	(tm) =	ssettm $0x1  }
0x91: {  	s18 =	sld [smem:$0x3FFB];
	_ =	sdelay $0x3  }
0x92: {  	_ =	strace s18  }
0x93: {  	s3 =	sld [smem:$0x3FFC];
	_ =	sdelay $0x3  }
0x94: {  	_ =	strace s3  }
0x95: {  	s3 =	sld [smem:$0x3FFD];
	_ =	sdelay $0x3  }
0x96: {  	_ =	strace s3  }
0x97: {  	_ =	strace $0x8FFFFFFF  }
0x98: {  	s19 =	sld [smem:$0x3FDB];
	_ =	sdelay $0x1  }
0x99: {  	s4 =	simm.s32 $_scs_section_size  }
0x9a: {  	s5 =	simm.s32 $_size__tile_overlayer_lowered;
	s6 =	simm.s32 $_tile_overlayer_lowered  }
0x9b: {  	s22 =	simm.s32 $0x1BFF;
	s21 =	sshll.u32 s6, $0x1;
	s3 =	sadd.s32 s4, s19  }
0x9c: {  	s7 =	simm.s32 $0x0;
	s20 =	sshll.u32 s5, $0x1;
	s5 =	sadd.s32 s21, s3  }
0x9d: {  	[timem:s7], [sflag:s22] =	dma.local [hbm:s5], s20  }
0x9e: {  	_ =	swait.ge [sflag:s22], s20  }
0x9f: {  	s4 =	ssub.s32 $0x0, s20;
	[sflag:s22] =	ssyncset.done $0x0  }
0xa0: {  	[sflag:s22] =	ssyncadd.s32 s4;
	_ =	sdelay $0x1  }
0xa1: {  	s23 =	simm.s32 $0x1B8B  }
0xa2: {  	_ =	swait.ge [sflag:s23], $0x1  }
0xa3: {  	[sflag:s23] =	ssyncset.done $0x0  }
0xa4: {  	s25 =	simm.s32 $0x1B8E;
	s24 =	sld [smem:$0x3FFE];
	[sflag:s23] =	ssyncadd.s32 $0xFFFFFFFF  }
0xa5: {  	s26 =	simm.s32 $execute0_lowered;
	[smem:$0x3FD2] =	sst s25  }
0xa6: {  	s5 =	sshll.u32 s26, $0x1;
	_ =	strace $0x80000046;
	[dreg:$0x1] =	wrdreg $0xFFFFFFFF  }
0xa7: {  	s28 =	simm.s32 $_size_execute0_lowered;
	s3 =	sadd.s32 s3, s5;
	[dreg:$0x0] =	wrdreg $0x0  }
0xa8: {  	s5 =	sshll.u32 s28, $0x1;
	[dreg:$0x2] =	wrdreg s3  }
0xa9: {  	[dreg:$0x3] =	wrdreg s5  }
0xaa: {  	[dreg:$0x4] =	wrdreg $0xC0  }
0xab: {  	_ =	task [dreg:s7], $0x5FFFF  }
0xac: {  	[dreg:$0x1] =	wrdreg $0xFFFFFFFF  }
0xad: {  	[dreg:$0x0] =	wrdreg $0x60  }
0xae: {  	[dreg:$0x2] =	wrdreg s2  }
0xaf: {  	[dreg:$0x3] =	wrdreg s24  }
0xb0: {  	[dreg:$0x4] =	wrdreg $0x2AF80  }
0xb1: {  	[dreg:$0x5] =	wrdreg $0x9  }
0xb2: {  	_ =	task.clear_ibuf [dreg:s7], $0x6FFFF;
	_ =	strace $0x90000046  }
0xb3: {  	s29 =	simm.s32 $0x9;
	_ =	strace $0x80000048  }
0xb4: {  	_ =	swait.ge [sflag:s29], $0x1  }
0xb5: {  	[sflag:s29] =	ssyncadd.s32 $0xFFFFFFFF  }
0xb6: {  	_ =	strace $0x90000048  }
0xb7: {  	_ =	sfence  }
0xb8: {  	s30 =	sld [smem:$0x0];
	_ =	sdelay $0x2  }
0xb9: {  	s31 =	sshll.u32 s1, $0xD;
	s1 =	sshrl.u32 s1, $0x2  }
0xba: {  	s3 =	sand.u32 $0x4000, s31;
	s1 =	sadd.s32 s1, s30  }
0xbb: {  	s0 =	sor.u32 s3, s0;
	s1 =	sshll.u32 s1, $0x11  }
0xbc: {  	s0 =	sor.u32 s1, s0  }
0xbd: {  	s0 =	sadd.s32 $0x8F2B, s0  }
0xbe: {  	[sflag:s0] =	ssyncadd.remote.s32 $0x1  }
0xbf: {  	_ =	sfence.sel $0xFFFF  }
0xc0: {  	[dreg:$0x0] =	wrdreg $0xFFFFFFFF;
	(pc) =	sbr.abs _section_cstart, $3  }
0xc1: {  	[dreg:$0x1] =	wrdreg $0xFFFFFFFF  }
0xc2: {  	_ =	task.clear_ibuf [dreg:s7], $0x2FFFF;
	_ =	strace $0x9FFFFFFF  }
0xc3: {  	(tm) =	ssettm $0x7FFFFFFF  }
tec
execute0_lowered:
.L_overlay_start_1:
0x0: {  	(tag) =	ssettag $0x1  }
0x1: {  	s4 =	rddreg [dreg:$0x0]  }
0x2: {  	s5 =	rddreg [dreg:$0x1]  }
0x3: {  	s2 =	rddreg [dreg:$0x2]  }
0x4: {  	s0 =	rddreg [dreg:$0x3]  }
0x5: {  	s1 =	stileid.u32;
	s6 =	srdreg.scid  }
0x6: {  	s3 =	simm.s32 $0x0;
	s12 =	simm.s32 $0x2800;
	s13 =	simm.s32 $0x3  }
0x7: {  	s14 =	simm.s32 $0x4;
	s15 =	simm.s32 $0x5;
	s16 =	simm.s32 $0x6  }
0x8: {  	s17 =	simm.s32 $0x7;
	s18 =	simm.s32 $0x8;
	s19 =	simm.s32 $0x0  }
0x9: {  	s7 =	smul.u32 $0x278, s1;
	s6 =	sand.u32 $0x1, s6;
	[smem:$0x7FF] =	sst s3  }
0xa: {  	s9 =	sshll.u32 s1, $0x1;
	s8 =	smul.u32 $0x2780, s6;
	_ =	strace $0x80000047  }
0xb: {  	s9 =	sor.u32 s6, s9;
	s6 =	ssub.s32 $0x2, s6;
	s10 =	sshrl.u32 s7, $0x3  }
0xc: {  	s9 =	smul.u32 $0x500, s9;
	s11 =	sshrl.u32 s6, $0x1;
	s8 =	sadd.s32 s7, s8  }
0xd: {  	s10 =	sadd.s32 s10, s5;
	s11 =	ssub.s32 s6, s11;
	s6 =	sadd.s32 s7, s2  }
0xe: {  	s8 =	sshrl.u32 s8, $0x3;
	s4 =	sadd.s32 s4, s9;
	s9 =	simm.s32 $0xD  }
0xf: {  	s8 =	sadd.s32 s8, s5;
	s5 =	sadd.s32 $0x2000, s10;
	s10 =	simm.s32 $0x2880  }
0x10: {  	v0 =	vimm.f32 $1.000000000e+00;
	s7 =	sadd.s32 $0x2600, s8;
	s8 =	smax.u32 s11, $0x1;
	s11 =	simm.s32 $0x80  }
.LBB2_1:
0x11: {  	[tilespmem:s3], [sflag:$0xD] =	stream.linear.gather [hbm4b:s4+s3], $0x2800, $0x38;
	[tilespmem:$0x2D70] =	vst v63  }
0x12: {  	_ =	swait.ge [sflag:s9], $0x2800  }
0x13: {  	[sflag:s9] =	ssyncset.done $0x0  }
0x14: {  	[sflag:s9] =	ssyncadd.s32 $0xFFFFD800  }
0x15: {  	[tilespmem:$0x2800] =	vst v0  }
0x16: {  	[tilespmem:$0x2810] =	vst v0  }
0x17: {  	[tilespmem:$0x2820] =	vst v0  }
0x18: {  	[tilespmem:$0x2830] =	vst v0  }
0x19: {  	[tilespmem:$0x2840] =	vst v0  }
0x1a: {  	s20 =	smul.u32 $0xAB, s3;
	p0 =	por $0x1, $0x1;
	[tilespmem:$0x2850] =	vst v0  }
0x1b: {  	s22 =	simm.s32 $0x1;
	s21 =	simm.s32 @!p0 $0xFFFFFFFA;
	[tilespmem:$0x2860] =	vst v0  }
0x1c: {  	s22 =	smul.u32 $0xAB, s22;
	p1 =	por p0, p0;
	s20 =	sshrl.u32 s20, $0xB;
	[tilespmem:$0x2870] =	vst v0  }
0x1d: {  	[tilespmem:s10], [sflag:$0xD] =	stream.linear.gather [hbm4b:s5+s3], $0x278, $0x38;
	[tilespmem:$0x2D70] =	vst v63  }
0x1e: {  	s21 =	sand.u32 @!p0 $0xFF, s21;
	s20 =	sand.u32 $0x1F, s20;
	_ =	swait.ge [sflag:s9], $0x278  }
0x1f: {  	s21 =	smul.u32 @!p0 $0xAB, s21;
	s31 =	sshrl.u32 s22, $0xB;
	[sflag:s9] =	ssyncset.done $0x0  }
0x20: {  	s20 =	smul.u32 $0xC, s20;
	s22 =	sand.u32 $0x1F, s31;
	[sflag:s9] =	ssyncadd.s32 $0xFFFFFD88  }
0x21: {  	[spmem:s6] =	stream.linear.scatter [tilespmem:s10], [sflag:$0xD], $0x278, $0x38;
	[tilespmem:$0x2D70] =	vst v63  }
0x22: {  	s21 =	sshrl.u32 @!p0 s21, $0xB;
	s25 =	smul.u32 $0xC, s22;
	_ =	swait.ge [sflag:s9], $0x278  }
0x23: {  	s20 =	ssub.s32 $0x0, s20;
	s21 =	smul.u32 @!p0 $0xC, s21;
	[sflag:s9] =	ssyncset.done $0x0  }
0x24: {  	p0 =	por $0x1, $0x1;
	s20 =	sand.u32 $0xFF, s20;
	[sflag:s9] =	ssyncadd.s32 $0xFFFFFD88  }
0x25: {  	s20 =	sadd.s32 $0x1, s20;
	s21 =	ssub.s32 @!p1 $0xFFFFFFFA, s21;
	[bflag:$0x0] =	sbarrier.arrive $0xFFFF  }
0x26: {  	[spmem:s2] =	stream.indirect.scatter.add.f32 [tilespmem:s12], [sflag:s20], $0x1, s3, s11, $0xb8;
	[tilespmem:$0x2D70] =	vst v63  }
0x27: {  	s25 =	ssub.s32 $0x1, s25;
	s24 =	sand.u32 @!p1 $0xFF, s21;
	s20 =	simm.s32 @!p0 $0xFFFFFFFB  }
0x28: {  	s21 =	simm.s32 $0x80;
	s24 =	sadd.s32 @!p1 $0x1, s24;
	s22 =	sand.u32 @!p0 $0xFF, s20  }
0x29: {  	_ =	swait.ge @!p1 [sflag:s24], $0x80;
	s23 =	smul.u32 @!p0 $0xAB, s22;
	s22 =	simm.s32 $0x2  }
.LBB2_2:
0x2a: {  	s26 =	smul.u32 $0xAB, s22  }
0x2b: {  	s25 =	sand.u32 $0xFF, s25;
	[sflag:s24] =	ssyncset.done @!p1 $0x0;
	s23 =	sshrl.u32 @!p0 s23, $0xB  }
0x2c: {  	s25 =	sadd.s32 $0x1, s25;
	[sflag:s24] =	ssyncadd.s32 @!p1 $0xFFFFFF80;
	s23 =	smul.u32 @!p0 $0xC, s23  }
0x2d: {  	[spmem:s2] =	stream.indirect.scatter.add.f32 [tilespmem:s12], [sflag:s25], $0x1, s21, s11, $0xb8;
	[tilespmem:$0x2D70] =	vst v63  }
0x2e: {  	p1 =	por p0, p0;
	p0 =	slt.u32 s22, $0x6;
	s25 =	smov.u32 s22  }
0x2f: {  	s23 =	ssub.s32 @!p1 s20, s23;
	s20 =	sadd.s32 @!p0 $0xFFFFFFFA, s22;
	s22 =	sadd.s32 $0x1, s22  }
0x30: {  	p2 =	sne.s32 s22, $0x50  }
.Ltmp0:
0x31: {  	s24 =	sshrl.u32 s26, $0xB;
	s21 =	sadd.s32 $0x80, s21;
	(pc) =	sbr.rel @p2 .LBB2_2-.Ltmp0, $4  }
0x32: {  	s24 =	sand.u32 $0x1F, s24  }
0x33: {  	s26 =	smul.u32 $0xC, s24;
	s24 =	sand.u32 @!p0 $0xFF, s20;
	s28 =	sand.u32 @!p1 $0xFF, s23  }
0x34: {  	s23 =	smul.u32 @!p0 $0xAB, s24;
	s24 =	sadd.s32 @!p1 $0x1, s28  }
0x35: {  	s25 =	ssub.s32 s25, s26;
	_ =	swait.ge @!p1 [sflag:s24], $0x80  }
0x36: {  	s22 =	sand.u32 $0xFF, s25;
	[sflag:s24] =	ssyncset.done @!p1 $0x0  }
0x37: {  	s23 =	sshrl.u32 @!p0 s23, $0xB;
	s22 =	sadd.s32 $0x1, s22;
	[sflag:s24] =	ssyncadd.s32 @!p1 $0xFFFFFF80  }
0x38: {  	[spmem:s2] =	stream.indirect.scatter.add.f32 [tilespmem:s12], [sflag:s22], $0x1, s21, s11, $0xb8;
	[tilespmem:$0x2D70] =	vst v63  }
0x39: {  	s21 =	smul.u32 @!p0 $0xC, s23  }
0x3a: {  	p0 =	por p0, p0  }
0x3b: {  	s20 =	ssub.s32 @!p0 s20, s21  }
0x3c: {  	s20 =	sand.u32 @!p0 $0xFF, s20  }
0x3d: {  	s20 =	sadd.s32 @!p0 $0x1, s20  }
0x3e: {  	_ =	swait.ge @!p0 [sflag:s20], $0x80  }
0x3f: {  	[sflag:s20] =	ssyncset.done @!p0 $0x0  }
0x40: {  	[sflag:s20] =	ssyncadd.s32 @!p0 $0xFFFFFF80  }
0x41: {  	_ =	swait.ge [sflag:s13], $0x80  }
0x42: {  	[sflag:s13] =	ssyncset.done $0x0  }
0x43: {  	[sflag:s13] =	ssyncadd.s32 $0xFFFFFF80  }
0x44: {  	_ =	swait.ge [sflag:s14], $0x80  }
0x45: {  	[sflag:s14] =	ssyncset.done $0x0  }
0x46: {  	[sflag:s14] =	ssyncadd.s32 $0xFFFFFF80  }
0x47: {  	_ =	swait.ge [sflag:s15], $0x80  }
0x48: {  	[sflag:s15] =	ssyncset.done $0x0  }
0x49: {  	[sflag:s15] =	ssyncadd.s32 $0xFFFFFF80  }
0x4a: {  	_ =	swait.ge [sflag:s16], $0x80  }
0x4b: {  	[sflag:s16] =	ssyncset.done $0x0  }
0x4c: {  	[sflag:s16] =	ssyncadd.s32 $0xFFFFFF80  }
0x4d: {  	_ =	swait.ge [sflag:s17], $0x80  }
0x4e: {  	[sflag:s17] =	ssyncset.done $0x0  }
0x4f: {  	[sflag:s17] =	ssyncadd.s32 $0xFFFFFF80  }
0x50: {  	_ =	swait.ge [sflag:s18], $0x80  }
0x51: {  	[sflag:s18] =	ssyncset.done $0x0  }
0x52: {  	[sflag:s18] =	ssyncadd.s32 $0xFFFFFF80  }
0x53: {  	[bflag:$0x0] =	sbarrier.arrive $0xFFFF  }
0x54: {  	[tilespmem:s10], [sflag:$0xD] =	stream.linear.gather [spmem:s6], $0x278, $0x38;
	[tilespmem:$0x2D70] =	vst v63  }
0x55: {  	s19 =	sadd.s32 $0x1, s19;
	_ =	swait.ge [sflag:s9], $0x278  }
0x56: {  	p0 =	sne.s32 s19, s8;
	[sflag:s9] =	ssyncset.done $0x0  }
.Ltmp1:
0x57: {  	[sflag:s9] =	ssyncadd.s32 $0xFFFFFD88;
	(pc) =	sbr.rel @p0 .LBB2_1-.Ltmp1, $4  }
0x58: {  	[hbm4b:s7+s3] =	stream.linear.scatter [tilespmem:s10], [sflag:$0xD], $0x278, $0x38;
	[tilespmem:$0x2D70] =	vst v63  }
0x59: {  	_ =	swait.ge [sflag:s9], $0x278  }
0x5a: {  	[sflag:s9] =	ssyncset.done $0x0  }
0x5b: {  	[sflag:s9] =	ssyncadd.s32 $0xFFFFFD88  }
0x5c: {  	_ =	sfence.sel $0x180000  }
0x5d: {  	[bflag:$0x0] =	sbarrier.arrive $0xFFFF  }
0x5e: {  	p0 =	sne.s32 s1, $0x0;
	_ =	strace $0x90000047  }
0x5f: {  	s0 =	sadd.s32 @!p0 $0x100000, s0;
	[bflag:$0x2] =	sbarrier.arrive $0xFFFF  }
0x60: {  	[sflag:s0] =	ssyncadd.tile.s32 @!p0 $0x1;
	_ =	shalt  }
.Lfunc_end2:
_tile_overlayer_lowered:
.L_overlay_start_2:
0x61: {  	(tag) =	ssettag $0x2  }
0x62: {  	s0 =	rddreg [dreg:$0x0];
	s2 =	stileid.u32  }
0x63: {  	s1 =	rddreg [dreg:$0x1];
	p0 =	sne.s32 s2, $0x0  }
0x64: {  	s3 =	rddreg [dreg:$0x2];
	[bflag:$0x3] =	sbarrier.arrive $0xFFFF;
	s2 =	simm.s32 @!p0 $0x1C0D  }
0x65: {  	[timem:s3], [sflag:s2] =	dma.local @!p0 [hbm:s0], s1  }
0x66: {  	s0 =	simm.s32 @!p0 $0xD  }
0x67: {  	_ =	swait.ge @!p0 [sflag:s0], s1  }
0x68: {  	s1 =	ssub.s32 @!p0 $0x0, s1;
	[sflag:s0] =	ssyncset.done @!p0 $0x0  }
0x69: {  	[sflag:s0] =	ssyncadd.s32 @!p0 s1  }
0x6a: {  	[bflag:$0x3] =	sbarrier.arrive $0xFFFF  }
0x6b: {  	_ =	shalt  }

</sc_bundles>
